<compile_context>
chip_gen: v7x
topology: tpu7x:2x2x1
jax: 0.10.2.dev20260603
libtpu: 0.0.44.dev20260713+nightly
codegen_flags: <defaults>
</compile_context>

<pallas_src>
import functools
import numpy as np
import jax
import jax.numpy as jnp
from jax import lax
from jax.experimental import pallas as pl
from jax.experimental.pallas import tpu as pltpu
from jax.experimental.pallas import tpu_sc as plsc

HID = 256
ND = 3
K = 32
TS = 128
MT = 8192


def _embed_consts():
    per = HID // ND
    half = per // 2
    emb = np.exp(np.arange(half) * -(np.log(10000.0) / (half - 1)))
    F = np.zeros((ND, HID), np.float32)
    ph = np.zeros((HID,), np.float32)
    w = 2 * half
    for i in range(ND):
        F[i, w * i: w * i + half] = emb
        F[i, w * i + half: w * i + 2 * half] = emb
        ph[w * i + half: w * i + 2 * half] = np.pi / 2
    return jnp.asarray(F), jnp.asarray(ph.reshape(1, HID))


def _topk_kernel(si_ref, xs_ref, xst_ref, o_ref):
    N = xs_ref.shape[1]
    b = pl.program_id(0)
    xs = xs_ref[0]
    xst = xst_ref[0]
    si = si_ref[0]
    iota = jax.lax.broadcasted_iota(jnp.int32, (TS, N), 1)

    q = jax.lax.dot_general((iota == si).astype(jnp.float32), xs,
                            (((1,), (0,)), ((), ())),
                            precision=jax.lax.Precision.HIGHEST)
    dist = jnp.zeros((TS, N), jnp.float32)
    for d in range(ND):
        diff = q[:, d:d + 1] - xst[d:d + 1, :]
        dist = dist + diff * diff

    idxs = []
    for _ in range(K):
        idx = jnp.argmin(dist, axis=1).astype(jnp.int32)[:, None]
        dist = jnp.where(iota == idx, jnp.inf, dist)
        idxs.append(idx)
    o_ref[0] = jnp.concatenate(idxs, axis=1) + b * N


def _make_sc_gather(n_pts, tab_len):
    info = plsc.get_sparse_core_info()
    nc, ns, L = info.num_cores, info.num_subcores, info.num_lanes
    nw = nc * ns
    per_w = n_pts // nw
    mesh = plsc.VectorSubcoreMesh(core_axis_name="c", subcore_axis_name="s")

    @functools.partial(
        pl.kernel, mesh=mesh,
        out_type=jax.ShapeDtypeStruct((nw, ND * per_w), jnp.float32),
        scratch_types=[
            pltpu.VMEM((tab_len,), jnp.float32),
            pltpu.VMEM((per_w,), jnp.int32),
            pltpu.VMEM((ND * per_w,), jnp.float32),
        ],
        compiler_params=pltpu.CompilerParams(needs_layout_passes=False),
    )
    def sc_gather(tab_hbm, idx_hbm, out_hbm, tab_v, idx_v, out_v):
        wid = lax.axis_index("s") * nc + lax.axis_index("c")
        base = wid * per_w
        pltpu.sync_copy(tab_hbm, tab_v)
        pltpu.sync_copy(idx_hbm.at[pl.ds(base, per_w)], idx_v)

        def body(i, carry):
            rows = idx_v[pl.ds(i * L, L)]
            r3 = rows * ND
            for d in range(ND):
                out_v[pl.ds(d * per_w + i * L, L)] = plsc.load_gather(
                    tab_v, [r3 + d])
            return carry

        lax.fori_loop(0, per_w // L, body, 0)
        pltpu.sync_copy(out_v, out_hbm.at[wid])

    return sc_gather, nw, per_w


def _mlp_kernel(pts_ref, win_ref, bin_ref, f_ref, ph_ref,
                w1_ref, b1_ref, w2_ref, b2_ref, o_ref):
    nwb = pts_ref.shape[0]
    xparts = []
    for w in range(nwb):
        p = pts_ref[w]
        xparts.append(
            lax.dot_general(p, win_ref[...], (((0,), (0,)), ((), ())))
            + jnp.sin(lax.dot_general(p, f_ref[...], (((0,), (0,)), ((), ())))
                      + ph_ref[...]))
    x = jnp.concatenate(xparts, axis=0) + bin_ref[...]
    h = jax.nn.gelu(x @ w1_ref[...] + b1_ref[...])
    y = h @ w2_ref[...] + b2_ref[...]
    o_ref[...] = jnp.mean(y.reshape(MT // K, K, HID), axis=1)


def kernel(input_pos, supernode_idxs, W_in, b_in, W1, b1, W2, b2):
    B, N, _ = input_pos.shape
    S = supernode_idxs.shape[1]
    nt = S // TS
    M = B * S * K
    si = supernode_idxs.astype(jnp.int32).reshape(B * nt, TS, 1)
    xst = jnp.transpose(input_pos, (0, 2, 1))
    F, ph = _embed_consts()

    idx = pl.pallas_call(
        _topk_kernel,
        grid=(B, nt),
        in_specs=[
            pl.BlockSpec((1, TS, 1), lambda b, j: (b * nt + j, 0, 0)),
            pl.BlockSpec((1, N, ND), lambda b, j: (b, 0, 0)),
            pl.BlockSpec((1, ND, N), lambda b, j: (b, 0, 0)),
        ],
        out_specs=pl.BlockSpec((1, TS, K), lambda b, j: (b * nt + j, 0, 0)),
        out_shape=jax.ShapeDtypeStruct((B * nt, TS, K), jnp.int32),
    )(si, input_pos, xst)
    flat_idx = idx.reshape(M)

    tab = input_pos.reshape(B * N * ND)
    sc_gather, nw, per_w = _make_sc_gather(M, B * N * ND)
    ptsw = sc_gather(tab, flat_idx)
    pw = MT // per_w
    pts3 = ptsw.reshape(nw, ND, per_w)

    out = pl.pallas_call(
        _mlp_kernel,
        grid=(M // MT,),
        in_specs=[
            pl.BlockSpec((pw, ND, per_w), lambda j: (j, 0, 0)),
            pl.BlockSpec((ND, HID), lambda j: (0, 0)),
            pl.BlockSpec((1, HID), lambda j: (0, 0)),
            pl.BlockSpec((ND, HID), lambda j: (0, 0)),
            pl.BlockSpec((1, HID), lambda j: (0, 0)),
            pl.BlockSpec((HID, HID), lambda j: (0, 0)),
            pl.BlockSpec((1, HID), lambda j: (0, 0)),
            pl.BlockSpec((HID, HID), lambda j: (0, 0)),
            pl.BlockSpec((1, HID), lambda j: (0, 0)),
        ],
        out_specs=pl.BlockSpec((MT // K, HID), lambda j: (j, 0)),
        out_shape=jax.ShapeDtypeStruct((B * S, HID), jnp.float32),
    )(pts3, W_in, b_in.reshape(1, HID), F, ph,
      W1, b1.reshape(1, HID), W2, b2.reshape(1, HID))
    return out.reshape(B, S, HID)

# --- scband reference (transcript-rebuilt; emitter-appended) ---
"""Pipeline reference for scband-supernode-pooling-50130858278962 (READ-ONLY COPY).

The authoritative reference and input builder live on the scoring server;
editing this copy changes nothing except your own understanding.
"""

import jax, jax.numpy as jnp
import numpy as np

HIDDEN_DIM = 256
NDIM = 3
MAX_DEGREE = 32


def sincos_embed(pos, dim, ndim):
    emb_dim_per_dim = dim // ndim
    half = emb_dim_per_dim // 2
    emb = jnp.exp(jnp.arange(half) * -(jnp.log(10000.0) / (half - 1)))
    embs = []
    for i in range(ndim):
        p = pos[..., i:i + 1]
        e = p * emb
        e = jnp.concatenate([jnp.sin(e), jnp.cos(e)], axis=-1)
        embs.append(e)
    x = jnp.concatenate(embs, axis=-1)
    if x.shape[-1] < dim:
        pad = [(0, 0)] * (x.ndim - 1) + [(0, dim - x.shape[-1])]
        x = jnp.pad(x, pad)
    return x


def batch_knn(x, supernode_idxs, k):
    def per_sample(xs, si):
        dists = jnp.sqrt(jnp.sum((xs[:, None, :] - xs[None, :, :]) ** 2, axis=-1))
        dists_from_supernodes = dists[si]
        neighbor_idxs = jnp.argsort(dists_from_supernodes, axis=1)[:, :k]
        return xs[neighbor_idxs]
    return jax.vmap(per_sample)(x, supernode_idxs)


def setup_inputs(seed: int = 0):
    key = jax.random.key(seed)
    ks = jax.random.split(key, 6)
    B, N, S = 4, 4096, 512
    input_pos = jax.random.normal(ks[0], (B, N, NDIM), dtype=jnp.float32)
    supernode_idxs = jax.random.randint(ks[1], (B, S), 0, N).astype(jnp.int64)
    W_in = jax.random.normal(ks[2], (NDIM, HIDDEN_DIM), dtype=jnp.float32) / np.sqrt(NDIM)
    b_in = jnp.zeros((HIDDEN_DIM,), dtype=jnp.float32)
    W1 = jax.random.normal(ks[3], (HIDDEN_DIM, HIDDEN_DIM), dtype=jnp.float32) / np.sqrt(HIDDEN_DIM)
    b1 = jnp.zeros((HIDDEN_DIM,), dtype=jnp.float32)
    W2 = jax.random.normal(ks[4], (HIDDEN_DIM, HIDDEN_DIM), dtype=jnp.float32) / np.sqrt(HIDDEN_DIM)
    b2 = jnp.zeros((HIDDEN_DIM,), dtype=jnp.float32)
    return {"input_pos": input_pos, "supernode_idxs": supernode_idxs, "W_in": W_in, "b_in": b_in, "W1": W1, "b1": b1, "W2": W2, "b2": b2}


def reference(input_pos, supernode_idxs, W_in, b_in, W1, b1, W2, b2):
    pts = batch_knn(input_pos, supernode_idxs, MAX_DEGREE)  # (B, S, k, 3)
    input_proj = pts @ W_in + b_in
    pos_embed = sincos_embed(pts, HIDDEN_DIM, NDIM)
    x = input_proj + pos_embed
    x = jax.nn.gelu(x @ W1 + b1)
    x = x @ W2 + b2
    x = jnp.mean(x, axis=-2)  # (B, S, hidden)
    return x

if __name__ == "__main__":
    import jax
    _d = setup_inputs()
    print(jax.jit(kernel)(*tuple(_d.values())))

</pallas_src>

<mosaic_0001>
#map = affine_map<(d0, d1) -> (0)>
#map1 = affine_map<(d0, d1) -> (0, 0)>
module attributes {stable_mosaic.version = 14 : i64} {
  func.func @sc_gather(%arg0: i32, %arg1: i32, %arg2: memref<49152xf32, #tpu.memory_space<hbm>>, %arg3: memref<65536xi32, #tpu.memory_space<hbm>>, %arg4: memref<32x6144xf32, #tpu.memory_space<hbm>>, %arg5: memref<49152xf32, #tpu.memory_space<vmem>>, %arg6: memref<2048xi32, #tpu.memory_space<vmem>>, %arg7: memref<6144xf32, #tpu.memory_space<vmem>>) attributes {dimension_semantics = [#tpu.dimension_semantics<core_parallel>, #tpu.dimension_semantics<subcore_parallel>], iteration_bounds = array<i64: 2, 16>, scalar_prefetch = 0 : i64, scratch_operands = 3 : i64, tpu.core_type = #tpu.core_type<sc_vector_subcore>, window_params = [{transform_indices = #map}, {transform_indices = #map}, {transform_indices = #map1}]} {
    %mul3A = arith.constant 2 : i32
    %mul3A_0 = arith.muli %arg1, %mul3A : i32
    %add3A = arith.addi %mul3A_0, %arg0 : i32
    %mul3A_1 = arith.constant 2048 : i32
    %mul3A_2 = arith.muli %add3A, %mul3A_1 : i32
    "tpu.region"() ({
      %run_scoped3A = tpu.sem_alloc : memref<!tpu.dma_semaphore, #tpu.memory_space<semaphore_mem>>
      tpu.enqueue_dma source(%arg2 : memref<49152xf32, #tpu.memory_space<hbm>>) target(%arg5 : memref<49152xf32, #tpu.memory_space<vmem>>) target_semaphore(%run_scoped3A : memref<!tpu.dma_semaphore, #tpu.memory_space<semaphore_mem>>)
      tpu.wait_dma2 semaphore(%run_scoped3A : memref<!tpu.dma_semaphore, #tpu.memory_space<semaphore_mem>>) src(%arg2 : memref<49152xf32, #tpu.memory_space<hbm>>) dst(%arg5 : memref<49152xf32, #tpu.memory_space<vmem>>)
      tpu.yield
    }) : () -> ()
    "tpu.region"() ({
      %run_scoped3A = tpu.sem_alloc : memref<!tpu.dma_semaphore, #tpu.memory_space<semaphore_mem>>
      %dma_start3A = tpu.memref_slice %arg3[%mul3A_2] : memref<65536xi32, #tpu.memory_space<hbm>> -> memref<2048xi32, #tpu.memory_space<hbm>>
      %dma_start3A_8 = tpu.memref_slice %arg3[%mul3A_2] : memref<65536xi32, #tpu.memory_space<hbm>> -> memref<2048xi32, #tpu.memory_space<hbm>>
      tpu.enqueue_dma source(%dma_start3A_8 : memref<2048xi32, #tpu.memory_space<hbm>>) target(%arg6 : memref<2048xi32, #tpu.memory_space<vmem>>) target_semaphore(%run_scoped3A : memref<!tpu.dma_semaphore, #tpu.memory_space<semaphore_mem>>)
      %dma_wait3A = tpu.memref_slice %arg3[%mul3A_2] : memref<65536xi32, #tpu.memory_space<hbm>> -> memref<2048xi32, #tpu.memory_space<hbm>>
      %dma_wait3A_9 = tpu.memref_slice %arg3[%mul3A_2] : memref<65536xi32, #tpu.memory_space<hbm>> -> memref<2048xi32, #tpu.memory_space<hbm>>
      tpu.wait_dma2 semaphore(%run_scoped3A : memref<!tpu.dma_semaphore, #tpu.memory_space<semaphore_mem>>) src(%dma_wait3A_9 : memref<2048xi32, #tpu.memory_space<hbm>>) dst(%arg6 : memref<2048xi32, #tpu.memory_space<vmem>>)
      tpu.yield
    }) : () -> ()
    %scan3A = arith.constant 0 : i32
    %scan3A_3 = arith.constant 0 : i32
    %scan3A_4 = arith.constant 128 : i32
    %scan3A_5 = arith.addi %scan3A_3, %scan3A_4 : i32
    %scan3A_6 = arith.constant 1 : i32
    scf.for %scan3A_8 = %scan3A_3 to %scan3A_5 step %scan3A_6  : i32 {
      %mul3A_9 = arith.constant 16 : i32
      %mul3A_10 = arith.muli %scan3A_8, %mul3A_9 : i32
      %get3A = arith.index_cast %mul3A_10 : i32 to index
      %get3A_11 = tpu.vector_load %arg6[%get3A] {strides = array<i32>} : memref<2048xi32, #tpu.memory_space<vmem>>, vector<16xi32>,
      %mul3A_12 = arith.constant 3 : i32
      %mul3A_13 = vector.broadcast %mul3A_12 : i32 to vector<16xi32>
      %mul3A_14 = arith.muli %get3A_11, %mul3A_13 : vector<16xi32>
      %add3A_15 = arith.constant 0 : i32
      %add3A_16 = vector.broadcast %add3A_15 : i32 to vector<16xi32>
      %add3A_17 = arith.addi %mul3A_14, %add3A_16 : vector<16xi32>
      %gather3A = tpu.vector_load_idx %arg5[%add3A_17] : memref<49152xf32, #tpu.memory_space<vmem>>[vector<16xi32>], vector<16xf32>,
      %mul3A_18 = arith.constant 16 : i32
      %mul3A_19 = arith.muli %scan3A_8, %mul3A_18 : i32
      %add3A_20 = arith.constant 0 : i32
      %add3A_21 = arith.addi %add3A_20, %mul3A_19 : i32
      %swap3A = arith.index_cast %add3A_21 : i32 to index
      %swap3A_22 = tpu.vector_load %arg7[%swap3A] {strides = array<i32>} : memref<6144xf32, #tpu.memory_space<vmem>>, vector<16xf32>,
      tpu.vector_store %arg7[%swap3A], %gather3A {strides = array<i32>} : memref<6144xf32, #tpu.memory_space<vmem>>, vector<16xf32>,
      %add3A_23 = arith.constant 1 : i32
      %add3A_24 = vector.broadcast %add3A_23 : i32 to vector<16xi32>
      %add3A_25 = arith.addi %mul3A_14, %add3A_24 : vector<16xi32>
      %gather3A_26 = tpu.vector_load_idx %arg5[%add3A_25] : memref<49152xf32, #tpu.memory_space<vmem>>[vector<16xi32>], vector<16xf32>,
      %mul3A_27 = arith.constant 16 : i32
      %mul3A_28 = arith.muli %scan3A_8, %mul3A_27 : i32
      %add3A_29 = arith.constant 2048 : i32
      %add3A_30 = arith.addi %add3A_29, %mul3A_28 : i32
      %swap3A_31 = arith.index_cast %add3A_30 : i32 to index
      %swap3A_32 = tpu.vector_load %arg7[%swap3A_31] {strides = array<i32>} : memref<6144xf32, #tpu.memory_space<vmem>>, vector<16xf32>,
      tpu.vector_store %arg7[%swap3A_31], %gather3A_26 {strides = array<i32>} : memref<6144xf32, #tpu.memory_space<vmem>>, vector<16xf32>,
      %add3A_33 = arith.constant 2 : i32
      %add3A_34 = vector.broadcast %add3A_33 : i32 to vector<16xi32>
      %add3A_35 = arith.addi %mul3A_14, %add3A_34 : vector<16xi32>
      %gather3A_36 = tpu.vector_load_idx %arg5[%add3A_35] : memref<49152xf32, #tpu.memory_space<vmem>>[vector<16xi32>], vector<16xf32>,
      %mul3A_37 = arith.constant 16 : i32
      %mul3A_38 = arith.muli %scan3A_8, %mul3A_37 : i32
      %add3A_39 = arith.constant 4096 : i32
      %add3A_40 = arith.addi %add3A_39, %mul3A_38 : i32
      %swap3A_41 = arith.index_cast %add3A_40 : i32 to index
      %swap3A_42 = tpu.vector_load %arg7[%swap3A_41] {strides = array<i32>} : memref<6144xf32, #tpu.memory_space<vmem>>, vector<16xf32>,
      tpu.vector_store %arg7[%swap3A_41], %gather3A_36 {strides = array<i32>} : memref<6144xf32, #tpu.memory_space<vmem>>, vector<16xf32>,
    }
    %scan3A_7 = arith.constant 128 : i32
    "tpu.region"() ({
      %run_scoped3A = tpu.sem_alloc : memref<!tpu.dma_semaphore, #tpu.memory_space<semaphore_mem>>
      %dma_start3A = arith.constant 0 : i32
      %dma_start3A_8 = tpu.memref_slice %arg4[%add3A, %dma_start3A] : memref<32x6144xf32, #tpu.memory_space<hbm>> -> memref<1x6144xf32, #tpu.memory_space<hbm>>
      %dma_start3A_9 = tpu.memref_squeeze %dma_start3A_8 : memref<1x6144xf32, #tpu.memory_space<hbm>> -> memref<6144xf32, #tpu.memory_space<hbm>>
      %dma_start3A_10 = arith.constant 0 : i32
      %dma_start3A_11 = tpu.memref_slice %arg4[%add3A, %dma_start3A_10] : memref<32x6144xf32, #tpu.memory_space<hbm>> -> memref<1x6144xf32, #tpu.memory_space<hbm>>
      %dma_start3A_12 = tpu.memref_squeeze %dma_start3A_11 : memref<1x6144xf32, #tpu.memory_space<hbm>> -> memref<6144xf32, #tpu.memory_space<hbm>>
      tpu.enqueue_dma source(%arg7 : memref<6144xf32, #tpu.memory_space<vmem>>) target(%dma_start3A_12 : memref<6144xf32, #tpu.memory_space<hbm>>) target_semaphore(%run_scoped3A : memref<!tpu.dma_semaphore, #tpu.memory_space<semaphore_mem>>)
      %dma_wait3A = arith.constant 0 : i32
      %dma_wait3A_13 = tpu.memref_slice %arg4[%add3A, %dma_wait3A] : memref<32x6144xf32, #tpu.memory_space<hbm>> -> memref<1x6144xf32, #tpu.memory_space<hbm>>
      %dma_wait3A_14 = tpu.memref_squeeze %dma_wait3A_13 : memref<1x6144xf32, #tpu.memory_space<hbm>> -> memref<6144xf32, #tpu.memory_space<hbm>>
      %dma_wait3A_15 = arith.constant 0 : i32
      %dma_wait3A_16 = tpu.memref_slice %arg4[%add3A, %dma_wait3A_15] : memref<32x6144xf32, #tpu.memory_space<hbm>> -> memref<1x6144xf32, #tpu.memory_space<hbm>>
      %dma_wait3A_17 = tpu.memref_squeeze %dma_wait3A_16 : memref<1x6144xf32, #tpu.memory_space<hbm>> -> memref<6144xf32, #tpu.memory_space<hbm>>
      tpu.wait_dma2 semaphore(%run_scoped3A : memref<!tpu.dma_semaphore, #tpu.memory_space<semaphore_mem>>) src(%arg7 : memref<6144xf32, #tpu.memory_space<vmem>>) dst(%dma_wait3A_17 : memref<6144xf32, #tpu.memory_space<hbm>>)
      tpu.yield
    }) : () -> ()
    return
  }
}

module attributes {stable_mosaic.version = 14 : i64} {
  func.func @_topk_kernel(%arg0: i32, %arg1: i32, %arg2: memref<1x128x1xi32, #tpu.memory_space<vmem>>, %arg3: memref<1x4096x3xf32, #tpu.memory_space<vmem>>, %arg4: memref<1x3x4096xf32, #tpu.memory_space<vmem>>, %arg5: memref<1x128x32xi32, #tpu.memory_space<vmem>>) attributes {dimension_semantics = [#tpu.dimension_semantics<arbitrary>, #tpu.dimension_semantics<arbitrary>], iteration_bounds = array<i64: 4, 4>, scalar_prefetch = 0 : i64, scratch_operands = 0 : i64, tpu.core_type = #tpu.core_type<tc>, window_params = [{transform_indices = @transform_0, window_bounds = array<i64: 1, 128, 1>}, {transform_indices = @transform_1, window_bounds = array<i64: 1, 4096, 3>}, {transform_indices = @transform_2, window_bounds = array<i64: 1, 3, 4096>}, {transform_indices = @transform_3, window_bounds = array<i64: 1, 128, 32>}]} {
    %get3A = arith.constant 0 : index
    %get3A_0 = arith.constant 0 : index
    %get3A_1 = arith.constant 0 : index
    %get3A_2 = vector.load %arg3[%get3A, %get3A_0, %get3A_1] : memref<1x4096x3xf32, #tpu.memory_space<vmem>>, vector<1x4096x3xf32>
    %get3A_3 = vector.shape_cast %get3A_2 : vector<1x4096x3xf32> to vector<4096x3xf32>
    %get3A_4 = arith.constant 0 : index
    %get3A_5 = arith.constant 0 : index
    %get3A_6 = arith.constant 0 : index
    %get3A_7 = vector.load %arg4[%get3A_4, %get3A_5, %get3A_6] : memref<1x3x4096xf32, #tpu.memory_space<vmem>>, vector<1x3x4096xf32>
    %get3A_8 = vector.shape_cast %get3A_7 : vector<1x3x4096xf32> to vector<3x4096xf32>
    %get3A_9 = arith.constant 0 : index
    %get3A_10 = arith.constant 0 : index
    %get3A_11 = arith.constant 0 : index
    %get3A_12 = vector.load %arg2[%get3A_9, %get3A_10, %get3A_11] : memref<1x128x1xi32, #tpu.memory_space<vmem>>, vector<1x128x1xi32>
    %get3A_13 = vector.shape_cast %get3A_12 : vector<1x128x1xi32> to vector<128x1xi32>
    %iota3A = tpu.iota {dimensions = array<i32: 1>} : vector<128x4096xi32>
    %eq3A = vector.broadcast %get3A_13 : vector<128x1xi32> to vector<128x4096xi32>
    %eq3A_14 = arith.cmpi eq, %iota3A, %eq3A : vector<128x4096xi32>
    %convert_element_type3A = arith.extui %eq3A_14 : vector<128x4096xi1> to vector<128x4096xi32>
    %convert_element_type3A_15 = arith.sitofp %convert_element_type3A : vector<128x4096xi32> to vector<128x4096xf32>
    %dot_general3A = arith.constant dense<0.000000e+00> : vector<128x3xf32>
    %dot_general3A_16 = tpu.matmul %convert_element_type3A_15, %get3A_3, %dot_general3A {dimension_numbers = #tpu.dot_dimension_numbers<[1], [0], [0], [1], [0, 0, 1, 1], [], []>, precision = #tpu.contract_precision<fp32>, transpose_lhs_hint = false} : vector<128x4096xf32>, vector<4096x3xf32>, vector<128x3xf32> -> vector<128x3xf32>
    %broadcast_in_dim3A = arith.constant 0.000000e+00 : f32
    %broadcast_in_dim3A_17 = vector.broadcast %broadcast_in_dim3A : f32 to vector<128x4096xf32>
    %slice3A = vector.extract_strided_slice %dot_general3A_16 {offsets = [0, 0], sizes = [128, 1], strides = [1, 1]} : vector<128x3xf32> to vector<128x1xf32>
    %slice3A_18 = vector.extract_strided_slice %get3A_8 {offsets = [0, 0], sizes = [1, 4096], strides = [1, 1]} : vector<3x4096xf32> to vector<1x4096xf32>
    %sub3A = vector.broadcast %slice3A : vector<128x1xf32> to vector<128x4096xf32>
    %sub3A_19 = vector.broadcast %slice3A_18 : vector<1x4096xf32> to vector<128x4096xf32>
    %sub3A_20 = arith.subf %sub3A, %sub3A_19 : vector<128x4096xf32>
    %mul3A = arith.mulf %sub3A_20, %sub3A_20 : vector<128x4096xf32>
    %add3A = arith.addf %broadcast_in_dim3A_17, %mul3A : vector<128x4096xf32>
    %slice3A_21 = vector.extract_strided_slice %dot_general3A_16 {offsets = [0, 1], sizes = [128, 1], strides = [1, 1]} : vector<128x3xf32> to vector<128x1xf32>
    %slice3A_22 = vector.extract_strided_slice %get3A_8 {offsets = [1, 0], sizes = [1, 4096], strides = [1, 1]} : vector<3x4096xf32> to vector<1x4096xf32>
    %sub3A_23 = vector.broadcast %slice3A_21 : vector<128x1xf32> to vector<128x4096xf32>
    %sub3A_24 = vector.broadcast %slice3A_22 : vector<1x4096xf32> to vector<128x4096xf32>
    %sub3A_25 = arith.subf %sub3A_23, %sub3A_24 : vector<128x4096xf32>
    %mul3A_26 = arith.mulf %sub3A_25, %sub3A_25 : vector<128x4096xf32>
    %add3A_27 = arith.addf %add3A, %mul3A_26 : vector<128x4096xf32>
    %slice3A_28 = vector.extract_strided_slice %dot_general3A_16 {offsets = [0, 2], sizes = [128, 1], strides = [1, 1]} : vector<128x3xf32> to vector<128x1xf32>
    %slice3A_29 = vector.extract_strided_slice %get3A_8 {offsets = [2, 0], sizes = [1, 4096], strides = [1, 1]} : vector<3x4096xf32> to vector<1x4096xf32>
    %sub3A_30 = vector.broadcast %slice3A_28 : vector<128x1xf32> to vector<128x4096xf32>
    %sub3A_31 = vector.broadcast %slice3A_29 : vector<1x4096xf32> to vector<128x4096xf32>
    %sub3A_32 = arith.subf %sub3A_30, %sub3A_31 : vector<128x4096xf32>
    %mul3A_33 = arith.mulf %sub3A_32, %sub3A_32 : vector<128x4096xf32>
    %add3A_34 = arith.addf %add3A_27, %mul3A_33 : vector<128x4096xf32>
    %argmin3A = tpu.reduce_index %add3A_34 {axis = 1 : i32, kind = #tpu.reduction_kind<arg_min>} : vector<128x4096xf32> -> vector<128xi32>
    %broadcast_in_dim3A_35 = vector.shape_cast %argmin3A : vector<128xi32> to vector<128x1xi32>
    %eq3A_36 = vector.broadcast %broadcast_in_dim3A_35 : vector<128x1xi32> to vector<128x4096xi32>
    %eq3A_37 = arith.cmpi eq, %iota3A, %eq3A_36 : vector<128x4096xi32>
    %jit3A = arith.constant 0x7F800000 : f32
    %broadcast_in_dim3A_38 = vector.broadcast %jit3A : f32 to vector<128x4096xf32>
    %select_n3A = arith.select %eq3A_37, %broadcast_in_dim3A_38, %add3A_34 : vector<128x4096xi1>, vector<128x4096xf32>
    %argmin3A_39 = tpu.reduce_index %select_n3A {axis = 1 : i32, kind = #tpu.reduction_kind<arg_min>} : vector<128x4096xf32> -> vector<128xi32>
    %broadcast_in_dim3A_40 = vector.shape_cast %argmin3A_39 : vector<128xi32> to vector<128x1xi32>
    %eq3A_41 = vector.broadcast %broadcast_in_dim3A_40 : vector<128x1xi32> to vector<128x4096xi32>
    %eq3A_42 = arith.cmpi eq, %iota3A, %eq3A_41 : vector<128x4096xi32>
    %jit3A_43 = arith.constant 0x7F800000 : f32
    %broadcast_in_dim3A_44 = vector.broadcast %jit3A_43 : f32 to vector<128x4096xf32>
    %select_n3A_45 = arith.select %eq3A_42, %broadcast_in_dim3A_44, %select_n3A : vector<128x4096xi1>, vector<128x4096xf32>
    %argmin3A_46 = tpu.reduce_index %select_n3A_45 {axis = 1 : i32, kind = #tpu.reduction_kind<arg_min>} : vector<128x4096xf32> -> vector<128xi32>
    %broadcast_in_dim3A_47 = vector.shape_cast %argmin3A_46 : vector<128xi32> to vector<128x1xi32>
    %eq3A_48 = vector.broadcast %broadcast_in_dim3A_47 : vector<128x1xi32> to vector<128x4096xi32>
    %eq3A_49 = arith.cmpi eq, %iota3A, %eq3A_48 : vector<128x4096xi32>
    %jit3A_50 = arith.constant 0x7F800000 : f32
    %broadcast_in_dim3A_51 = vector.broadcast %jit3A_50 : f32 to vector<128x4096xf32>
    %select_n3A_52 = arith.select %eq3A_49, %broadcast_in_dim3A_51, %select_n3A_45 : vector<128x4096xi1>, vector<128x4096xf32>
    %argmin3A_53 = tpu.reduce_index %select_n3A_52 {axis = 1 : i32, kind = #tpu.reduction_kind<arg_min>} : vector<128x4096xf32> -> vector<128xi32>
    %broadcast_in_dim3A_54 = vector.shape_cast %argmin3A_53 : vector<128xi32> to vector<128x1xi32>
    %eq3A_55 = vector.broadcast %broadcast_in_dim3A_54 : vector<128x1xi32> to vector<128x4096xi32>
    %eq3A_56 = arith.cmpi eq, %iota3A, %eq3A_55 : vector<128x4096xi32>
    %jit3A_57 = arith.constant 0x7F800000 : f32
    %broadcast_in_dim3A_58 = vector.broadcast %jit3A_57 : f32 to vector<128x4096xf32>
    %select_n3A_59 = arith.select %eq3A_56, %broadcast_in_dim3A_58, %select_n3A_52 : vector<128x4096xi1>, vector<128x4096xf32>
    %argmin3A_60 = tpu.reduce_index %select_n3A_59 {axis = 1 : i32, kind = #tpu.reduction_kind<arg_min>} : vector<128x4096xf32> -> vector<128xi32>
    %broadcast_in_dim3A_61 = vector.shape_cast %argmin3A_60 : vector<128xi32> to vector<128x1xi32>
    %eq3A_62 = vector.broadcast %broadcast_in_dim3A_61 : vector<128x1xi32> to vector<128x4096xi32>
    %eq3A_63 = arith.cmpi eq, %iota3A, %eq3A_62 : vector<128x4096xi32>
    %jit3A_64 = arith.constant 0x7F800000 : f32
    %broadcast_in_dim3A_65 = vector.broadcast %jit3A_64 : f32 to vector<128x4096xf32>
    %select_n3A_66 = arith.select %eq3A_63, %broadcast_in_dim3A_65, %select_n3A_59 : vector<128x4096xi1>, vector<128x4096xf32>
    %argmin3A_67 = tpu.reduce_index %select_n3A_66 {axis = 1 : i32, kind = #tpu.reduction_kind<arg_min>} : vector<128x4096xf32> -> vector<128xi32>
    %broadcast_in_dim3A_68 = vector.shape_cast %argmin3A_67 : vector<128xi32> to vector<128x1xi32>
    %eq3A_69 = vector.broadcast %broadcast_in_dim3A_68 : vector<128x1xi32> to vector<128x4096xi32>
    %eq3A_70 = arith.cmpi eq, %iota3A, %eq3A_69 : vector<128x4096xi32>
    %jit3A_71 = arith.constant 0x7F800000 : f32
    %broadcast_in_dim3A_72 = vector.broadcast %jit3A_71 : f32 to vector<128x4096xf32>
    %select_n3A_73 = arith.select %eq3A_70, %broadcast_in_dim3A_72, %select_n3A_66 : vector<128x4096xi1>, vector<128x4096xf32>
    %argmin3A_74 = tpu.reduce_index %select_n3A_73 {axis = 1 : i32, kind = #tpu.reduction_kind<arg_min>} : vector<128x4096xf32> -> vector<128xi32>
    %broadcast_in_dim3A_75 = vector.shape_cast %argmin3A_74 : vector<128xi32> to vector<128x1xi32>
    %eq3A_76 = vector.broadcast %broadcast_in_dim3A_75 : vector<128x1xi32> to vector<128x4096xi32>
    %eq3A_77 = arith.cmpi eq, %iota3A, %eq3A_76 : vector<128x4096xi32>
    %jit3A_78 = arith.constant 0x7F800000 : f32
    %broadcast_in_dim3A_79 = vector.broadcast %jit3A_78 : f32 to vector<128x4096xf32>
    %select_n3A_80 = arith.select %eq3A_77, %broadcast_in_dim3A_79, %select_n3A_73 : vector<128x4096xi1>, vector<128x4096xf32>
    %argmin3A_81 = tpu.reduce_index %select_n3A_80 {axis = 1 : i32, kind = #tpu.reduction_kind<arg_min>} : vector<128x4096xf32> -> vector<128xi32>
    %broadcast_in_dim3A_82 = vector.shape_cast %argmin3A_81 : vector<128xi32> to vector<128x1xi32>
    %eq3A_83 = vector.broadcast %broadcast_in_dim3A_82 : vector<128x1xi32> to vector<128x4096xi32>
    %eq3A_84 = arith.cmpi eq, %iota3A, %eq3A_83 : vector<128x4096xi32>
    %jit3A_85 = arith.constant 0x7F800000 : f32
    %broadcast_in_dim3A_86 = vector.broadcast %jit3A_85 : f32 to vector<128x4096xf32>
    %select_n3A_87 = arith.select %eq3A_84, %broadcast_in_dim3A_86, %select_n3A_80 : vector<128x4096xi1>, vector<128x4096xf32>
    %argmin3A_88 = tpu.reduce_index %select_n3A_87 {axis = 1 : i32, kind = #tpu.reduction_kind<arg_min>} : vector<128x4096xf32> -> vector<128xi32>
    %broadcast_in_dim3A_89 = vector.shape_cast %argmin3A_88 : vector<128xi32> to vector<128x1xi32>
    %eq3A_90 = vector.broadcast %broadcast_in_dim3A_89 : vector<128x1xi32> to vector<128x4096xi32>
    %eq3A_91 = arith.cmpi eq, %iota3A, %eq3A_90 : vector<128x4096xi32>
    %jit3A_92 = arith.constant 0x7F800000 : f32
    %broadcast_in_dim3A_93 = vector.broadcast %jit3A_92 : f32 to vector<128x4096xf32>
    %select_n3A_94 = arith.select %eq3A_91, %broadcast_in_dim3A_93, %select_n3A_87 : vector<128x4096xi1>, vector<128x4096xf32>
    %argmin3A_95 = tpu.reduce_index %select_n3A_94 {axis = 1 : i32, kind = #tpu.reduction_kind<arg_min>} : vector<128x4096xf32> -> vector<128xi32>
    %broadcast_in_dim3A_96 = vector.shape_cast %argmin3A_95 : vector<128xi32> to vector<128x1xi32>
    %eq3A_97 = vector.broadcast %broadcast_in_dim3A_96 : vector<128x1xi32> to vector<128x4096xi32>
    %eq3A_98 = arith.cmpi eq, %iota3A, %eq3A_97 : vector<128x4096xi32>
    %jit3A_99 = arith.constant 0x7F800000 : f32
    %broadcast_in_dim3A_100 = vector.broadcast %jit3A_99 : f32 to vector<128x4096xf32>
    %select_n3A_101 = arith.select %eq3A_98, %broadcast_in_dim3A_100, %select_n3A_94 : vector<128x4096xi1>, vector<128x4096xf32>
    %argmin3A_102 = tpu.reduce_index %select_n3A_101 {axis = 1 : i32, kind = #tpu.reduction_kind<arg_min>} : vector<128x4096xf32> -> vector<128xi32>
    %broadcast_in_dim3A_103 = vector.shape_cast %argmin3A_102 : vector<128xi32> to vector<128x1xi32>
    %eq3A_104 = vector.broadcast %broadcast_in_dim3A_103 : vector<128x1xi32> to vector<128x4096xi32>
    %eq3A_105 = arith.cmpi eq, %iota3A, %eq3A_104 : vector<128x4096xi32>
    %jit3A_106 = arith.constant 0x7F800000 : f32
    %broadcast_in_dim3A_107 = vector.broadcast %jit3A_106 : f32 to vector<128x4096xf32>
    %select_n3A_108 = arith.select %eq3A_105, %broadcast_in_dim3A_107, %select_n3A_101 : vector<128x4096xi1>, vector<128x4096xf32>
    %argmin3A_109 = tpu.reduce_index %select_n3A_108 {axis = 1 : i32, kind = #tpu.reduction_kind<arg_min>} : vector<128x4096xf32> -> vector<128xi32>
    %broadcast_in_dim3A_110 = vector.shape_cast %argmin3A_109 : vector<128xi32> to vector<128x1xi32>
    %eq3A_111 = vector.broadcast %broadcast_in_dim3A_110 : vector<128x1xi32> to vector<128x4096xi32>
    %eq3A_112 = arith.cmpi eq, %iota3A, %eq3A_111 : vector<128x4096xi32>
    %jit3A_113 = arith.constant 0x7F800000 : f32
    %broadcast_in_dim3A_114 = vector.broadcast %jit3A_113 : f32 to vector<128x4096xf32>
    %select_n3A_115 = arith.select %eq3A_112, %broadcast_in_dim3A_114, %select_n3A_108 : vector<128x4096xi1>, vector<128x4096xf32>
    %argmin3A_116 = tpu.reduce_index %select_n3A_115 {axis = 1 : i32, kind = #tpu.reduction_kind<arg_min>} : vector<128x4096xf32> -> vector<128xi32>
    %broadcast_in_dim3A_117 = vector.shape_cast %argmin3A_116 : vector<128xi32> to vector<128x1xi32>
    %eq3A_118 = vector.broadcast %broadcast_in_dim3A_117 : vector<128x1xi32> to vector<128x4096xi32>
    %eq3A_119 = arith.cmpi eq, %iota3A, %eq3A_118 : vector<128x4096xi32>
    %jit3A_120 = arith.constant 0x7F800000 : f32
    %broadcast_in_dim3A_121 = vector.broadcast %jit3A_120 : f32 to vector<128x4096xf32>
    %select_n3A_122 = arith.select %eq3A_119, %broadcast_in_dim3A_121, %select_n3A_115 : vector<128x4096xi1>, vector<128x4096xf32>
    %argmin3A_123 = tpu.reduce_index %select_n3A_122 {axis = 1 : i32, kind = #tpu.reduction_kind<arg_min>} : vector<128x4096xf32> -> vector<128xi32>
    %broadcast_in_dim3A_124 = vector.shape_cast %argmin3A_123 : vector<128xi32> to vector<128x1xi32>
    %eq3A_125 = vector.broadcast %broadcast_in_dim3A_124 : vector<128x1xi32> to vector<128x4096xi32>
    %eq3A_126 = arith.cmpi eq, %iota3A, %eq3A_125 : vector<128x4096xi32>
    %jit3A_127 = arith.constant 0x7F800000 : f32
    %broadcast_in_dim3A_128 = vector.broadcast %jit3A_127 : f32 to vector<128x4096xf32>
    %select_n3A_129 = arith.select %eq3A_126, %broadcast_in_dim3A_128, %select_n3A_122 : vector<128x4096xi1>, vector<128x4096xf32>
    %argmin3A_130 = tpu.reduce_index %select_n3A_129 {axis = 1 : i32, kind = #tpu.reduction_kind<arg_min>} : vector<128x4096xf32> -> vector<128xi32>
    %broadcast_in_dim3A_131 = vector.shape_cast %argmin3A_130 : vector<128xi32> to vector<128x1xi32>
    %eq3A_132 = vector.broadcast %broadcast_in_dim3A_131 : vector<128x1xi32> to vector<128x4096xi32>
    %eq3A_133 = arith.cmpi eq, %iota3A, %eq3A_132 : vector<128x4096xi32>
    %jit3A_134 = arith.constant 0x7F800000 : f32
    %broadcast_in_dim3A_135 = vector.broadcast %jit3A_134 : f32 to vector<128x4096xf32>
    %select_n3A_136 = arith.select %eq3A_133, %broadcast_in_dim3A_135, %select_n3A_129 : vector<128x4096xi1>, vector<128x4096xf32>
    %argmin3A_137 = tpu.reduce_index %select_n3A_136 {axis = 1 : i32, kind = #tpu.reduction_kind<arg_min>} : vector<128x4096xf32> -> vector<128xi32>
    %broadcast_in_dim3A_138 = vector.shape_cast %argmin3A_137 : vector<128xi32> to vector<128x1xi32>
    %eq3A_139 = vector.broadcast %broadcast_in_dim3A_138 : vector<128x1xi32> to vector<128x4096xi32>
    %eq3A_140 = arith.cmpi eq, %iota3A, %eq3A_139 : vector<128x4096xi32>
    %jit3A_141 = arith.constant 0x7F800000 : f32
    %broadcast_in_dim3A_142 = vector.broadcast %jit3A_141 : f32 to vector<128x4096xf32>
    %select_n3A_143 = arith.select %eq3A_140, %broadcast_in_dim3A_142, %select_n3A_136 : vector<128x4096xi1>, vector<128x4096xf32>
    %argmin3A_144 = tpu.reduce_index %select_n3A_143 {axis = 1 : i32, kind = #tpu.reduction_kind<arg_min>} : vector<128x4096xf32> -> vector<128xi32>
    %broadcast_in_dim3A_145 = vector.shape_cast %argmin3A_144 : vector<128xi32> to vector<128x1xi32>
    %eq3A_146 = vector.broadcast %broadcast_in_dim3A_145 : vector<128x1xi32> to vector<128x4096xi32>
    %eq3A_147 = arith.cmpi eq, %iota3A, %eq3A_146 : vector<128x4096xi32>
    %jit3A_148 = arith.constant 0x7F800000 : f32
    %broadcast_in_dim3A_149 = vector.broadcast %jit3A_148 : f32 to vector<128x4096xf32>
    %select_n3A_150 = arith.select %eq3A_147, %broadcast_in_dim3A_149, %select_n3A_143 : vector<128x4096xi1>, vector<128x4096xf32>
    %argmin3A_151 = tpu.reduce_index %select_n3A_150 {axis = 1 : i32, kind = #tpu.reduction_kind<arg_min>} : vector<128x4096xf32> -> vector<128xi32>
    %broadcast_in_dim3A_152 = vector.shape_cast %argmin3A_151 : vector<128xi32> to vector<128x1xi32>
    %eq3A_153 = vector.broadcast %broadcast_in_dim3A_152 : vector<128x1xi32> to vector<128x4096xi32>
    %eq3A_154 = arith.cmpi eq, %iota3A, %eq3A_153 : vector<128x4096xi32>
    %jit3A_155 = arith.constant 0x7F800000 : f32
    %broadcast_in_dim3A_156 = vector.broadcast %jit3A_155 : f32 to vector<128x4096xf32>
    %select_n3A_157 = arith.select %eq3A_154, %broadcast_in_dim3A_156, %select_n3A_150 : vector<128x4096xi1>, vector<128x4096xf32>
    %argmin3A_158 = tpu.reduce_index %select_n3A_157 {axis = 1 : i32, kind = #tpu.reduction_kind<arg_min>} : vector<128x4096xf32> -> vector<128xi32>
    %broadcast_in_dim3A_159 = vector.shape_cast %argmin3A_158 : vector<128xi32> to vector<128x1xi32>
    %eq3A_160 = vector.broadcast %broadcast_in_dim3A_159 : vector<128x1xi32> to vector<128x4096xi32>
    %eq3A_161 = arith.cmpi eq, %iota3A, %eq3A_160 : vector<128x4096xi32>
    %jit3A_162 = arith.constant 0x7F800000 : f32
    %broadcast_in_dim3A_163 = vector.broadcast %jit3A_162 : f32 to vector<128x4096xf32>
    %select_n3A_164 = arith.select %eq3A_161, %broadcast_in_dim3A_163, %select_n3A_157 : vector<128x4096xi1>, vector<128x4096xf32>
    %argmin3A_165 = tpu.reduce_index %select_n3A_164 {axis = 1 : i32, kind = #tpu.reduction_kind<arg_min>} : vector<128x4096xf32> -> vector<128xi32>
    %broadcast_in_dim3A_166 = vector.shape_cast %argmin3A_165 : vector<128xi32> to vector<128x1xi32>
    %eq3A_167 = vector.broadcast %broadcast_in_dim3A_166 : vector<128x1xi32> to vector<128x4096xi32>
    %eq3A_168 = arith.cmpi eq, %iota3A, %eq3A_167 : vector<128x4096xi32>
    %jit3A_169 = arith.constant 0x7F800000 : f32
    %broadcast_in_dim3A_170 = vector.broadcast %jit3A_169 : f32 to vector<128x4096xf32>
    %select_n3A_171 = arith.select %eq3A_168, %broadcast_in_dim3A_170, %select_n3A_164 : vector<128x4096xi1>, vector<128x4096xf32>
    %argmin3A_172 = tpu.reduce_index %select_n3A_171 {axis = 1 : i32, kind = #tpu.reduction_kind<arg_min>} : vector<128x4096xf32> -> vector<128xi32>
    %broadcast_in_dim3A_173 = vector.shape_cast %argmin3A_172 : vector<128xi32> to vector<128x1xi32>
    %eq3A_174 = vector.broadcast %broadcast_in_dim3A_173 : vector<128x1xi32> to vector<128x4096xi32>
    %eq3A_175 = arith.cmpi eq, %iota3A, %eq3A_174 : vector<128x4096xi32>
    %jit3A_176 = arith.constant 0x7F800000 : f32
    %broadcast_in_dim3A_177 = vector.broadcast %jit3A_176 : f32 to vector<128x4096xf32>
    %select_n3A_178 = arith.select %eq3A_175, %broadcast_in_dim3A_177, %select_n3A_171 : vector<128x4096xi1>, vector<128x4096xf32>
    %argmin3A_179 = tpu.reduce_index %select_n3A_178 {axis = 1 : i32, kind = #tpu.reduction_kind<arg_min>} : vector<128x4096xf32> -> vector<128xi32>
    %broadcast_in_dim3A_180 = vector.shape_cast %argmin3A_179 : vector<128xi32> to vector<128x1xi32>
    %eq3A_181 = vector.broadcast %broadcast_in_dim3A_180 : vector<128x1xi32> to vector<128x4096xi32>
    %eq3A_182 = arith.cmpi eq, %iota3A, %eq3A_181 : vector<128x4096xi32>
    %jit3A_183 = arith.constant 0x7F800000 : f32
    %broadcast_in_dim3A_184 = vector.broadcast %jit3A_183 : f32 to vector<128x4096xf32>
    %select_n3A_185 = arith.select %eq3A_182, %broadcast_in_dim3A_184, %select_n3A_178 : vector<128x4096xi1>, vector<128x4096xf32>
    %argmin3A_186 = tpu.reduce_index %select_n3A_185 {axis = 1 : i32, kind = #tpu.reduction_kind<arg_min>} : vector<128x4096xf32> -> vector<128xi32>
    %broadcast_in_dim3A_187 = vector.shape_cast %argmin3A_186 : vector<128xi32> to vector<128x1xi32>
    %eq3A_188 = vector.broadcast %broadcast_in_dim3A_187 : vector<128x1xi32> to vector<128x4096xi32>
    %eq3A_189 = arith.cmpi eq, %iota3A, %eq3A_188 : vector<128x4096xi32>
    %jit3A_190 = arith.constant 0x7F800000 : f32
    %broadcast_in_dim3A_191 = vector.broadcast %jit3A_190 : f32 to vector<128x4096xf32>
    %select_n3A_192 = arith.select %eq3A_189, %broadcast_in_dim3A_191, %select_n3A_185 : vector<128x4096xi1>, vector<128x4096xf32>
    %argmin3A_193 = tpu.reduce_index %select_n3A_192 {axis = 1 : i32, kind = #tpu.reduction_kind<arg_min>} : vector<128x4096xf32> -> vector<128xi32>
    %broadcast_in_dim3A_194 = vector.shape_cast %argmin3A_193 : vector<128xi32> to vector<128x1xi32>
    %eq3A_195 = vector.broadcast %broadcast_in_dim3A_194 : vector<128x1xi32> to vector<128x4096xi32>
    %eq3A_196 = arith.cmpi eq, %iota3A, %eq3A_195 : vector<128x4096xi32>
    %jit3A_197 = arith.constant 0x7F800000 : f32
    %broadcast_in_dim3A_198 = vector.broadcast %jit3A_197 : f32 to vector<128x4096xf32>
    %select_n3A_199 = arith.select %eq3A_196, %broadcast_in_dim3A_198, %select_n3A_192 : vector<128x4096xi1>, vector<128x4096xf32>
    %argmin3A_200 = tpu.reduce_index %select_n3A_199 {axis = 1 : i32, kind = #tpu.reduction_kind<arg_min>} : vector<128x4096xf32> -> vector<128xi32>
    %broadcast_in_dim3A_201 = vector.shape_cast %argmin3A_200 : vector<128xi32> to vector<128x1xi32>
    %eq3A_202 = vector.broadcast %broadcast_in_dim3A_201 : vector<128x1xi32> to vector<128x4096xi32>
    %eq3A_203 = arith.cmpi eq, %iota3A, %eq3A_202 : vector<128x4096xi32>
    %jit3A_204 = arith.constant 0x7F800000 : f32
    %broadcast_in_dim3A_205 = vector.broadcast %jit3A_204 : f32 to vector<128x4096xf32>
    %select_n3A_206 = arith.select %eq3A_203, %broadcast_in_dim3A_205, %select_n3A_199 : vector<128x4096xi1>, vector<128x4096xf32>
    %argmin3A_207 = tpu.reduce_index %select_n3A_206 {axis = 1 : i32, kind = #tpu.reduction_kind<arg_min>} : vector<128x4096xf32> -> vector<128xi32>
    %broadcast_in_dim3A_208 = vector.shape_cast %argmin3A_207 : vector<128xi32> to vector<128x1xi32>
    %eq3A_209 = vector.broadcast %broadcast_in_dim3A_208 : vector<128x1xi32> to vector<128x4096xi32>
    %eq3A_210 = arith.cmpi eq, %iota3A, %eq3A_209 : vector<128x4096xi32>
    %jit3A_211 = arith.constant 0x7F800000 : f32
    %broadcast_in_dim3A_212 = vector.broadcast %jit3A_211 : f32 to vector<128x4096xf32>
    %select_n3A_213 = arith.select %eq3A_210, %broadcast_in_dim3A_212, %select_n3A_206 : vector<128x4096xi1>, vector<128x4096xf32>
    %argmin3A_214 = tpu.reduce_index %select_n3A_213 {axis = 1 : i32, kind = #tpu.reduction_kind<arg_min>} : vector<128x4096xf32> -> vector<128xi32>
    %broadcast_in_dim3A_215 = vector.shape_cast %argmin3A_214 : vector<128xi32> to vector<128x1xi32>
    %eq3A_216 = vector.broadcast %broadcast_in_dim3A_215 : vector<128x1xi32> to vector<128x4096xi32>
    %eq3A_217 = arith.cmpi eq, %iota3A, %eq3A_216 : vector<128x4096xi32>
    %jit3A_218 = arith.constant 0x7F800000 : f32
    %broadcast_in_dim3A_219 = vector.broadcast %jit3A_218 : f32 to vector<128x4096xf32>
    %select_n3A_220 = arith.select %eq3A_217, %broadcast_in_dim3A_219, %select_n3A_213 : vector<128x4096xi1>, vector<128x4096xf32>
    %argmin3A_221 = tpu.reduce_index %select_n3A_220 {axis = 1 : i32, kind = #tpu.reduction_kind<arg_min>} : vector<128x4096xf32> -> vector<128xi32>
    %broadcast_in_dim3A_222 = vector.shape_cast %argmin3A_221 : vector<128xi32> to vector<128x1xi32>
    %eq3A_223 = vector.broadcast %broadcast_in_dim3A_222 : vector<128x1xi32> to vector<128x4096xi32>
    %eq3A_224 = arith.cmpi eq, %iota3A, %eq3A_223 : vector<128x4096xi32>
    %jit3A_225 = arith.constant 0x7F800000 : f32
    %broadcast_in_dim3A_226 = vector.broadcast %jit3A_225 : f32 to vector<128x4096xf32>
    %select_n3A_227 = arith.select %eq3A_224, %broadcast_in_dim3A_226, %select_n3A_220 : vector<128x4096xi1>, vector<128x4096xf32>
    %argmin3A_228 = tpu.reduce_index %select_n3A_227 {axis = 1 : i32, kind = #tpu.reduction_kind<arg_min>} : vector<128x4096xf32> -> vector<128xi32>
    %broadcast_in_dim3A_229 = vector.shape_cast %argmin3A_228 : vector<128xi32> to vector<128x1xi32>
    %eq3A_230 = vector.broadcast %broadcast_in_dim3A_229 : vector<128x1xi32> to vector<128x4096xi32>
    %eq3A_231 = arith.cmpi eq, %iota3A, %eq3A_230 : vector<128x4096xi32>
    %jit3A_232 = arith.constant 0x7F800000 : f32
    %broadcast_in_dim3A_233 = vector.broadcast %jit3A_232 : f32 to vector<128x4096xf32>
    %select_n3A_234 = arith.select %eq3A_231, %broadcast_in_dim3A_233, %select_n3A_227 : vector<128x4096xi1>, vector<128x4096xf32>
    %argmin3A_235 = tpu.reduce_index %select_n3A_234 {axis = 1 : i32, kind = #tpu.reduction_kind<arg_min>} : vector<128x4096xf32> -> vector<128xi32>
    %broadcast_in_dim3A_236 = vector.shape_cast %argmin3A_235 : vector<128xi32> to vector<128x1xi32>
    %eq3A_237 = vector.broadcast %broadcast_in_dim3A_236 : vector<128x1xi32> to vector<128x4096xi32>
    %eq3A_238 = arith.cmpi eq, %iota3A, %eq3A_237 : vector<128x4096xi32>
    %jit3A_239 = arith.constant 0x7F800000 : f32
    %broadcast_in_dim3A_240 = vector.broadcast %jit3A_239 : f32 to vector<128x4096xf32>
    %select_n3A_241 = arith.select %eq3A_238, %broadcast_in_dim3A_240, %select_n3A_234 : vector<128x4096xi1>, vector<128x4096xf32>
    %argmin3A_242 = tpu.reduce_index %select_n3A_241 {axis = 1 : i32, kind = #tpu.reduction_kind<arg_min>} : vector<128x4096xf32> -> vector<128xi32>
    %broadcast_in_dim3A_243 = vector.shape_cast %argmin3A_242 : vector<128xi32> to vector<128x1xi32>
    %eq3A_244 = vector.broadcast %broadcast_in_dim3A_243 : vector<128x1xi32> to vector<128x4096xi32>
    %eq3A_245 = arith.cmpi eq, %iota3A, %eq3A_244 : vector<128x4096xi32>
    %jit3A_246 = arith.constant 0x7F800000 : f32
    %broadcast_in_dim3A_247 = vector.broadcast %jit3A_246 : f32 to vector<128x4096xf32>
    %select_n3A_248 = arith.select %eq3A_245, %broadcast_in_dim3A_247, %select_n3A_241 : vector<128x4096xi1>, vector<128x4096xf32>
    %argmin3A_249 = tpu.reduce_index %select_n3A_248 {axis = 1 : i32, kind = #tpu.reduction_kind<arg_min>} : vector<128x4096xf32> -> vector<128xi32>
    %broadcast_in_dim3A_250 = vector.shape_cast %argmin3A_249 : vector<128xi32> to vector<128x1xi32>
    %concatenate3A = tpu.concatenate %broadcast_in_dim3A_35, %broadcast_in_dim3A_40, %broadcast_in_dim3A_47, %broadcast_in_dim3A_54, %broadcast_in_dim3A_61, %broadcast_in_dim3A_68, %broadcast_in_dim3A_75, %broadcast_in_dim3A_82, %broadcast_in_dim3A_89, %broadcast_in_dim3A_96, %broadcast_in_dim3A_103, %broadcast_in_dim3A_110, %broadcast_in_dim3A_117, %broadcast_in_dim3A_124, %broadcast_in_dim3A_131, %broadcast_in_dim3A_138, %broadcast_in_dim3A_145, %broadcast_in_dim3A_152, %broadcast_in_dim3A_159, %broadcast_in_dim3A_166, %broadcast_in_dim3A_173, %broadcast_in_dim3A_180, %broadcast_in_dim3A_187, %broadcast_in_dim3A_194, %broadcast_in_dim3A_201, %broadcast_in_dim3A_208, %broadcast_in_dim3A_215, %broadcast_in_dim3A_222, %broadcast_in_dim3A_229, %broadcast_in_dim3A_236, %broadcast_in_dim3A_243, %broadcast_in_dim3A_250 in 1 : vector<128x1xi32>, vector<128x1xi32>, vector<128x1xi32>, vector<128x1xi32>, vector<128x1xi32>, vector<128x1xi32>, vector<128x1xi32>, vector<128x1xi32>, vector<128x1xi32>, vector<128x1xi32>, vector<128x1xi32>, vector<128x1xi32>, vector<128x1xi32>, vector<128x1xi32>, vector<128x1xi32>, vector<128x1xi32>, vector<128x1xi32>, vector<128x1xi32>, vector<128x1xi32>, vector<128x1xi32>, vector<128x1xi32>, vector<128x1xi32>, vector<128x1xi32>, vector<128x1xi32>, vector<128x1xi32>, vector<128x1xi32>, vector<128x1xi32>, vector<128x1xi32>, vector<128x1xi32>, vector<128x1xi32>, vector<128x1xi32>, vector<128x1xi32> -> vector<128x32xi32>
    %mul3A_251 = arith.constant 4096 : i32
    %mul3A_252 = arith.muli %arg0, %mul3A_251 : i32
    %add3A_253 = vector.broadcast %mul3A_252 : i32 to vector<128x32xi32>
    %add3A_254 = arith.addi %concatenate3A, %add3A_253 : vector<128x32xi32>
    %swap3A = arith.constant 0 : index
    %swap3A_255 = arith.constant 0 : index
    %swap3A_256 = arith.constant 0 : index
    %swap3A_257 = vector.load %arg5[%swap3A, %swap3A_255, %swap3A_256] : memref<1x128x32xi32, #tpu.memory_space<vmem>>, vector<1x128x32xi32>
    %swap3A_258 = vector.shape_cast %swap3A_257 : vector<1x128x32xi32> to vector<128x32xi32>
    %swap3A_259 = vector.shape_cast %add3A_254 : vector<128x32xi32> to vector<1x128x32xi32>
    tpu.vector_store %arg5[%swap3A, %swap3A_255, %swap3A_256], %swap3A_259 {strides = array<i32>} : memref<1x128x32xi32, #tpu.memory_space<vmem>>, vector<1x128x32xi32>,
    return
  }
  func.func @transform_0(%arg0: i32, %arg1: i32) -> (i32, i32, i32) {
    %mul3A = arith.constant 4 : i32
    %mul3A_0 = arith.muli %arg0, %mul3A : i32
    %add3A = arith.addi %mul3A_0, %arg1 : i32
    %c0_i32 = arith.constant 0 : i32
    %c0_i32_1 = arith.constant 0 : i32
    %c0_i32_2 = arith.constant 0 : i32
    return %add3A, %c0_i32, %c0_i32_1 : i32, i32, i32
  }
  func.func @transform_1(%arg0: i32, %arg1: i32) -> (i32, i32, i32) {
    %c0_i32 = arith.constant 0 : i32
    %c0_i32_0 = arith.constant 0 : i32
    %c0_i32_1 = arith.constant 0 : i32
    return %arg0, %c0_i32, %c0_i32_0 : i32, i32, i32
  }
  func.func @transform_2(%arg0: i32, %arg1: i32) -> (i32, i32, i32) {
    %c0_i32 = arith.constant 0 : i32
    %c0_i32_0 = arith.constant 0 : i32
    %c0_i32_1 = arith.constant 0 : i32
    return %arg0, %c0_i32, %c0_i32_0 : i32, i32, i32
  }
  func.func @transform_3(%arg0: i32, %arg1: i32) -> (i32, i32, i32) {
    %mul3A = arith.constant 4 : i32
    %mul3A_0 = arith.muli %arg0, %mul3A : i32
    %add3A = arith.addi %mul3A_0, %arg1 : i32
    %c0_i32 = arith.constant 0 : i32
    %c0_i32_1 = arith.constant 0 : i32
    %c0_i32_2 = arith.constant 0 : i32
    return %add3A, %c0_i32, %c0_i32_1 : i32, i32, i32
  }
}

module attributes {stable_mosaic.version = 14 : i64} {
  func.func @_mlp_kernel(%arg0: i32, %arg1: memref<4x3x2048xf32, #tpu.memory_space<vmem>>, %arg2: memref<3x256xf32, #tpu.memory_space<vmem>>, %arg3: memref<1x256xf32, #tpu.memory_space<vmem>>, %arg4: memref<3x256xf32, #tpu.memory_space<vmem>>, %arg5: memref<1x256xf32, #tpu.memory_space<vmem>>, %arg6: memref<256x256xf32, #tpu.memory_space<vmem>>, %arg7: memref<1x256xf32, #tpu.memory_space<vmem>>, %arg8: memref<256x256xf32, #tpu.memory_space<vmem>>, %arg9: memref<1x256xf32, #tpu.memory_space<vmem>>, %arg10: memref<256x256xf32, #tpu.memory_space<vmem>>) attributes {dimension_semantics = [#tpu.dimension_semantics<arbitrary>], iteration_bounds = array<i64: 8>, scalar_prefetch = 0 : i64, scratch_operands = 0 : i64, tpu.core_type = #tpu.core_type<tc>, window_params = [{transform_indices = @transform_0, window_bounds = array<i64: 4, 3, 2048>}, {pipeline_mode = #tpu.pipeline_mode<synchronous>, transform_indices = @transform_1, window_bounds = array<i64: 3, 256>}, {pipeline_mode = #tpu.pipeline_mode<synchronous>, transform_indices = @transform_2, window_bounds = array<i64: 1, 256>}, {pipeline_mode = #tpu.pipeline_mode<synchronous>, transform_indices = @transform_3, window_bounds = array<i64: 3, 256>}, {pipeline_mode = #tpu.pipeline_mode<synchronous>, transform_indices = @transform_4, window_bounds = array<i64: 1, 256>}, {pipeline_mode = #tpu.pipeline_mode<synchronous>, transform_indices = @transform_5, window_bounds = array<i64: 256, 256>}, {pipeline_mode = #tpu.pipeline_mode<synchronous>, transform_indices = @transform_6, window_bounds = array<i64: 1, 256>}, {pipeline_mode = #tpu.pipeline_mode<synchronous>, transform_indices = @transform_7, window_bounds = array<i64: 256, 256>}, {pipeline_mode = #tpu.pipeline_mode<synchronous>, transform_indices = @transform_8, window_bounds = array<i64: 1, 256>}, {transform_indices = @transform_9, window_bounds = array<i64: 256, 256>}]} {
    %get3A = arith.constant 0 : index
    %get3A_0 = arith.constant 0 : index
    %get3A_1 = arith.constant 0 : index
    %get3A_2 = vector.load %arg1[%get3A, %get3A_0, %get3A_1] : memref<4x3x2048xf32, #tpu.memory_space<vmem>>, vector<1x3x2048xf32>
    %get3A_3 = vector.shape_cast %get3A_2 : vector<1x3x2048xf32> to vector<3x2048xf32>
    %get3A_4 = arith.constant 0 : index
    %get3A_5 = arith.constant 0 : index
    %get3A_6 = vector.load %arg2[%get3A_4, %get3A_5] : memref<3x256xf32, #tpu.memory_space<vmem>>, vector<3x256xf32>
    %dot_general3A = arith.constant dense<0.000000e+00> : vector<2048x256xf32>
    %dot_general3A_7 = tpu.matmul %get3A_3, %get3A_6, %dot_general3A {dimension_numbers = #tpu.dot_dimension_numbers<[0], [0], [1], [1], [0, 1, 1, 1], [], []>, transpose_lhs_hint = false} : vector<3x2048xf32>, vector<3x256xf32>, vector<2048x256xf32> -> vector<2048x256xf32>
    %get3A_8 = arith.constant 0 : index
    %get3A_9 = arith.constant 0 : index
    %get3A_10 = vector.load %arg4[%get3A_8, %get3A_9] : memref<3x256xf32, #tpu.memory_space<vmem>>, vector<3x256xf32>
    %dot_general3A_11 = arith.constant dense<0.000000e+00> : vector<2048x256xf32>
    %dot_general3A_12 = tpu.matmul %get3A_3, %get3A_10, %dot_general3A_11 {dimension_numbers = #tpu.dot_dimension_numbers<[0], [0], [1], [1], [0, 1, 1, 1], [], []>, transpose_lhs_hint = false} : vector<3x2048xf32>, vector<3x256xf32>, vector<2048x256xf32> -> vector<2048x256xf32>
    %get3A_13 = arith.constant 0 : index
    %get3A_14 = arith.constant 0 : index
    %get3A_15 = vector.load %arg5[%get3A_13, %get3A_14] : memref<1x256xf32, #tpu.memory_space<vmem>>, vector<1x256xf32>
    %add3A = vector.broadcast %get3A_15 : vector<1x256xf32> to vector<2048x256xf32>
    %add3A_16 = arith.addf %dot_general3A_12, %add3A : vector<2048x256xf32>
    %sin3A = math.sin %add3A_16 : vector<2048x256xf32>
    %add3A_17 = arith.addf %dot_general3A_7, %sin3A : vector<2048x256xf32>
    %get3A_18 = arith.constant 1 : index
    %get3A_19 = arith.constant 0 : index
    %get3A_20 = arith.constant 0 : index
    %get3A_21 = vector.load %arg1[%get3A_18, %get3A_19, %get3A_20] : memref<4x3x2048xf32, #tpu.memory_space<vmem>>, vector<1x3x2048xf32>
    %get3A_22 = vector.shape_cast %get3A_21 : vector<1x3x2048xf32> to vector<3x2048xf32>
    %get3A_23 = arith.constant 0 : index
    %get3A_24 = arith.constant 0 : index
    %get3A_25 = vector.load %arg2[%get3A_23, %get3A_24] : memref<3x256xf32, #tpu.memory_space<vmem>>, vector<3x256xf32>
    %dot_general3A_26 = arith.constant dense<0.000000e+00> : vector<2048x256xf32>
    %dot_general3A_27 = tpu.matmul %get3A_22, %get3A_25, %dot_general3A_26 {dimension_numbers = #tpu.dot_dimension_numbers<[0], [0], [1], [1], [0, 1, 1, 1], [], []>, transpose_lhs_hint = false} : vector<3x2048xf32>, vector<3x256xf32>, vector<2048x256xf32> -> vector<2048x256xf32>
    %get3A_28 = arith.constant 0 : index
    %get3A_29 = arith.constant 0 : index
    %get3A_30 = vector.load %arg4[%get3A_28, %get3A_29] : memref<3x256xf32, #tpu.memory_space<vmem>>, vector<3x256xf32>
    %dot_general3A_31 = arith.constant dense<0.000000e+00> : vector<2048x256xf32>
    %dot_general3A_32 = tpu.matmul %get3A_22, %get3A_30, %dot_general3A_31 {dimension_numbers = #tpu.dot_dimension_numbers<[0], [0], [1], [1], [0, 1, 1, 1], [], []>, transpose_lhs_hint = false} : vector<3x2048xf32>, vector<3x256xf32>, vector<2048x256xf32> -> vector<2048x256xf32>
    %get3A_33 = arith.constant 0 : index
    %get3A_34 = arith.constant 0 : index
    %get3A_35 = vector.load %arg5[%get3A_33, %get3A_34] : memref<1x256xf32, #tpu.memory_space<vmem>>, vector<1x256xf32>
    %add3A_36 = vector.broadcast %get3A_35 : vector<1x256xf32> to vector<2048x256xf32>
    %add3A_37 = arith.addf %dot_general3A_32, %add3A_36 : vector<2048x256xf32>
    %sin3A_38 = math.sin %add3A_37 : vector<2048x256xf32>
    %add3A_39 = arith.addf %dot_general3A_27, %sin3A_38 : vector<2048x256xf32>
    %get3A_40 = arith.constant 2 : index
    %get3A_41 = arith.constant 0 : index
    %get3A_42 = arith.constant 0 : index
    %get3A_43 = vector.load %arg1[%get3A_40, %get3A_41, %get3A_42] : memref<4x3x2048xf32, #tpu.memory_space<vmem>>, vector<1x3x2048xf32>
    %get3A_44 = vector.shape_cast %get3A_43 : vector<1x3x2048xf32> to vector<3x2048xf32>
    %get3A_45 = arith.constant 0 : index
    %get3A_46 = arith.constant 0 : index
    %get3A_47 = vector.load %arg2[%get3A_45, %get3A_46] : memref<3x256xf32, #tpu.memory_space<vmem>>, vector<3x256xf32>
    %dot_general3A_48 = arith.constant dense<0.000000e+00> : vector<2048x256xf32>
    %dot_general3A_49 = tpu.matmul %get3A_44, %get3A_47, %dot_general3A_48 {dimension_numbers = #tpu.dot_dimension_numbers<[0], [0], [1], [1], [0, 1, 1, 1], [], []>, transpose_lhs_hint = false} : vector<3x2048xf32>, vector<3x256xf32>, vector<2048x256xf32> -> vector<2048x256xf32>
    %get3A_50 = arith.constant 0 : index
    %get3A_51 = arith.constant 0 : index
    %get3A_52 = vector.load %arg4[%get3A_50, %get3A_51] : memref<3x256xf32, #tpu.memory_space<vmem>>, vector<3x256xf32>
    %dot_general3A_53 = arith.constant dense<0.000000e+00> : vector<2048x256xf32>
    %dot_general3A_54 = tpu.matmul %get3A_44, %get3A_52, %dot_general3A_53 {dimension_numbers = #tpu.dot_dimension_numbers<[0], [0], [1], [1], [0, 1, 1, 1], [], []>, transpose_lhs_hint = false} : vector<3x2048xf32>, vector<3x256xf32>, vector<2048x256xf32> -> vector<2048x256xf32>
    %get3A_55 = arith.constant 0 : index
    %get3A_56 = arith.constant 0 : index
    %get3A_57 = vector.load %arg5[%get3A_55, %get3A_56] : memref<1x256xf32, #tpu.memory_space<vmem>>, vector<1x256xf32>
    %add3A_58 = vector.broadcast %get3A_57 : vector<1x256xf32> to vector<2048x256xf32>
    %add3A_59 = arith.addf %dot_general3A_54, %add3A_58 : vector<2048x256xf32>
    %sin3A_60 = math.sin %add3A_59 : vector<2048x256xf32>
    %add3A_61 = arith.addf %dot_general3A_49, %sin3A_60 : vector<2048x256xf32>
    %get3A_62 = arith.constant 3 : index
    %get3A_63 = arith.constant 0 : index
    %get3A_64 = arith.constant 0 : index
    %get3A_65 = vector.load %arg1[%get3A_62, %get3A_63, %get3A_64] : memref<4x3x2048xf32, #tpu.memory_space<vmem>>, vector<1x3x2048xf32>
    %get3A_66 = vector.shape_cast %get3A_65 : vector<1x3x2048xf32> to vector<3x2048xf32>
    %get3A_67 = arith.constant 0 : index
    %get3A_68 = arith.constant 0 : index
    %get3A_69 = vector.load %arg2[%get3A_67, %get3A_68] : memref<3x256xf32, #tpu.memory_space<vmem>>, vector<3x256xf32>
    %dot_general3A_70 = arith.constant dense<0.000000e+00> : vector<2048x256xf32>
    %dot_general3A_71 = tpu.matmul %get3A_66, %get3A_69, %dot_general3A_70 {dimension_numbers = #tpu.dot_dimension_numbers<[0], [0], [1], [1], [0, 1, 1, 1], [], []>, transpose_lhs_hint = false} : vector<3x2048xf32>, vector<3x256xf32>, vector<2048x256xf32> -> vector<2048x256xf32>
    %get3A_72 = arith.constant 0 : index
    %get3A_73 = arith.constant 0 : index
    %get3A_74 = vector.load %arg4[%get3A_72, %get3A_73] : memref<3x256xf32, #tpu.memory_space<vmem>>, vector<3x256xf32>
    %dot_general3A_75 = arith.constant dense<0.000000e+00> : vector<2048x256xf32>
    %dot_general3A_76 = tpu.matmul %get3A_66, %get3A_74, %dot_general3A_75 {dimension_numbers = #tpu.dot_dimension_numbers<[0], [0], [1], [1], [0, 1, 1, 1], [], []>, transpose_lhs_hint = false} : vector<3x2048xf32>, vector<3x256xf32>, vector<2048x256xf32> -> vector<2048x256xf32>
    %get3A_77 = arith.constant 0 : index
    %get3A_78 = arith.constant 0 : index
    %get3A_79 = vector.load %arg5[%get3A_77, %get3A_78] : memref<1x256xf32, #tpu.memory_space<vmem>>, vector<1x256xf32>
    %add3A_80 = vector.broadcast %get3A_79 : vector<1x256xf32> to vector<2048x256xf32>
    %add3A_81 = arith.addf %dot_general3A_76, %add3A_80 : vector<2048x256xf32>
    %sin3A_82 = math.sin %add3A_81 : vector<2048x256xf32>
    %add3A_83 = arith.addf %dot_general3A_71, %sin3A_82 : vector<2048x256xf32>
    %concatenate3A = tpu.concatenate %add3A_17, %add3A_39, %add3A_61, %add3A_83 in 0 : vector<2048x256xf32>, vector<2048x256xf32>, vector<2048x256xf32>, vector<2048x256xf32> -> vector<8192x256xf32>
    %get3A_84 = arith.constant 0 : index
    %get3A_85 = arith.constant 0 : index
    %get3A_86 = vector.load %arg3[%get3A_84, %get3A_85] : memref<1x256xf32, #tpu.memory_space<vmem>>, vector<1x256xf32>
    %add3A_87 = vector.broadcast %get3A_86 : vector<1x256xf32> to vector<8192x256xf32>
    %add3A_88 = arith.addf %concatenate3A, %add3A_87 : vector<8192x256xf32>
    %get3A_89 = arith.constant 0 : index
    %get3A_90 = arith.constant 0 : index
    %get3A_91 = vector.load %arg6[%get3A_89, %get3A_90] : memref<256x256xf32, #tpu.memory_space<vmem>>, vector<256x256xf32>
    %dot_general3A_92 = arith.constant dense<0.000000e+00> : vector<8192x256xf32>
    %dot_general3A_93 = tpu.matmul %add3A_88, %get3A_91, %dot_general3A_92 {dimension_numbers = #tpu.dot_dimension_numbers<[1], [0], [0], [1], [0, 0, 1, 1], [], []>, transpose_lhs_hint = false} : vector<8192x256xf32>, vector<256x256xf32>, vector<8192x256xf32> -> vector<8192x256xf32>
    %get3A_94 = arith.constant 0 : index
    %get3A_95 = arith.constant 0 : index
    %get3A_96 = vector.load %arg7[%get3A_94, %get3A_95] : memref<1x256xf32, #tpu.memory_space<vmem>>, vector<1x256xf32>
    %add3A_97 = vector.broadcast %get3A_96 : vector<1x256xf32> to vector<8192x256xf32>
    %add3A_98 = arith.addf %dot_general3A_93, %add3A_97 : vector<8192x256xf32>
    %integer_pow3A = arith.mulf %add3A_98, %add3A_98 : vector<8192x256xf32>
    %integer_pow3A_99 = arith.mulf %add3A_98, %integer_pow3A : vector<8192x256xf32>
    %mul3A = arith.constant 4.471500e-02 : f32
    %mul3A_100 = vector.broadcast %mul3A : f32 to vector<8192x256xf32>
    %mul3A_101 = arith.mulf %mul3A_100, %integer_pow3A_99 : vector<8192x256xf32>
    %add3A_102 = arith.addf %add3A_98, %mul3A_101 : vector<8192x256xf32>
    %mul3A_103 = arith.constant 0.797884583 : f32
    %mul3A_104 = vector.broadcast %mul3A_103 : f32 to vector<8192x256xf32>
    %mul3A_105 = arith.mulf %mul3A_104, %add3A_102 : vector<8192x256xf32>
    %tanh3A = math.tanh %mul3A_105 : vector<8192x256xf32>
    %add3A_106 = arith.constant 1.000000e+00 : f32
    %add3A_107 = vector.broadcast %add3A_106 : f32 to vector<8192x256xf32>
    %add3A_108 = arith.addf %add3A_107, %tanh3A : vector<8192x256xf32>
    %mul3A_109 = arith.constant 5.000000e-01 : f32
    %mul3A_110 = vector.broadcast %mul3A_109 : f32 to vector<8192x256xf32>
    %mul3A_111 = arith.mulf %mul3A_110, %add3A_108 : vector<8192x256xf32>
    %mul3A_112 = arith.mulf %add3A_98, %mul3A_111 : vector<8192x256xf32>
    %get3A_113 = arith.constant 0 : index
    %get3A_114 = arith.constant 0 : index
    %get3A_115 = vector.load %arg8[%get3A_113, %get3A_114] : memref<256x256xf32, #tpu.memory_space<vmem>>, vector<256x256xf32>
    %dot_general3A_116 = arith.constant dense<0.000000e+00> : vector<8192x256xf32>
    %dot_general3A_117 = tpu.matmul %mul3A_112, %get3A_115, %dot_general3A_116 {dimension_numbers = #tpu.dot_dimension_numbers<[1], [0], [0], [1], [0, 0, 1, 1], [], []>, transpose_lhs_hint = false} : vector<8192x256xf32>, vector<256x256xf32>, vector<8192x256xf32> -> vector<8192x256xf32>
    %get3A_118 = arith.constant 0 : index
    %get3A_119 = arith.constant 0 : index
    %get3A_120 = vector.load %arg9[%get3A_118, %get3A_119] : memref<1x256xf32, #tpu.memory_space<vmem>>, vector<1x256xf32>
    %add3A_121 = vector.broadcast %get3A_120 : vector<1x256xf32> to vector<8192x256xf32>
    %add3A_122 = arith.addf %dot_general3A_117, %add3A_121 : vector<8192x256xf32>
    %reshape3A = vector.shape_cast %add3A_122 : vector<8192x256xf32> to vector<256x32x256xf32>
    %reduce_sum3A = arith.constant dense<0.000000e+00> : vector<256x256xf32>
    %reduce_sum3A_123 = vector.multi_reduction <add>, %reshape3A, %reduce_sum3A [1] : vector<256x32x256xf32> to vector<256x256xf32>
    %div3A = arith.constant 3.200000e+01 : f32
    %div3A_124 = vector.broadcast %div3A : f32 to vector<256x256xf32>
    %div3A_125 = arith.divf %reduce_sum3A_123, %div3A_124 : vector<256x256xf32>
    %swap3A = arith.constant 0 : index
    %swap3A_126 = arith.constant 0 : index
    %swap3A_127 = vector.load %arg10[%swap3A, %swap3A_126] : memref<256x256xf32, #tpu.memory_space<vmem>>, vector<256x256xf32>
    tpu.vector_store %arg10[%swap3A, %swap3A_126], %div3A_125 {strides = array<i32>} : memref<256x256xf32, #tpu.memory_space<vmem>>, vector<256x256xf32>,
    return
  }
  func.func @transform_0(%arg0: i32) -> (i32, i32, i32) {
    %c0_i32 = arith.constant 0 : i32
    %c0_i32_0 = arith.constant 0 : i32
    %c0_i32_1 = arith.constant 0 : i32
    return %arg0, %c0_i32, %c0_i32_0 : i32, i32, i32
  }
  func.func @transform_1(%arg0: i32) -> (i32, i32) {
    %c0_i32 = arith.constant 0 : i32
    %c0_i32_0 = arith.constant 0 : i32
    %c0_i32_1 = arith.constant 0 : i32
    return %c0_i32, %c0_i32_0 : i32, i32
  }
  func.func @transform_2(%arg0: i32) -> (i32, i32) {
    %c0_i32 = arith.constant 0 : i32
    %c0_i32_0 = arith.constant 0 : i32
    %c0_i32_1 = arith.constant 0 : i32
    return %c0_i32, %c0_i32_0 : i32, i32
  }
  func.func @transform_3(%arg0: i32) -> (i32, i32) {
    %c0_i32 = arith.constant 0 : i32
    %c0_i32_0 = arith.constant 0 : i32
    %c0_i32_1 = arith.constant 0 : i32
    return %c0_i32, %c0_i32_0 : i32, i32
  }
  func.func @transform_4(%arg0: i32) -> (i32, i32) {
    %c0_i32 = arith.constant 0 : i32
    %c0_i32_0 = arith.constant 0 : i32
    %c0_i32_1 = arith.constant 0 : i32
    return %c0_i32, %c0_i32_0 : i32, i32
  }
  func.func @transform_5(%arg0: i32) -> (i32, i32) {
    %c0_i32 = arith.constant 0 : i32
    %c0_i32_0 = arith.constant 0 : i32
    %c0_i32_1 = arith.constant 0 : i32
    return %c0_i32, %c0_i32_0 : i32, i32
  }
  func.func @transform_6(%arg0: i32) -> (i32, i32) {
    %c0_i32 = arith.constant 0 : i32
    %c0_i32_0 = arith.constant 0 : i32
    %c0_i32_1 = arith.constant 0 : i32
    return %c0_i32, %c0_i32_0 : i32, i32
  }
  func.func @transform_7(%arg0: i32) -> (i32, i32) {
    %c0_i32 = arith.constant 0 : i32
    %c0_i32_0 = arith.constant 0 : i32
    %c0_i32_1 = arith.constant 0 : i32
    return %c0_i32, %c0_i32_0 : i32, i32
  }
  func.func @transform_8(%arg0: i32) -> (i32, i32) {
    %c0_i32 = arith.constant 0 : i32
    %c0_i32_0 = arith.constant 0 : i32
    %c0_i32_1 = arith.constant 0 : i32
    return %c0_i32, %c0_i32_0 : i32, i32
  }
  func.func @transform_9(%arg0: i32) -> (i32, i32) {
    %c0_i32 = arith.constant 0 : i32
    %c0_i32_0 = arith.constant 0 : i32
    return %arg0, %c0_i32 : i32, i32
  }
}

</mosaic_0001>

<sc_bundles>
// kernel: kernel.5.cloned.1.call-start
scs
__scs_entry_jumppad:
0x0: {  	(pc) =	sbr.rel $0x88, $3  }
0x1: {  	(tag) =	ssettag $0x0;
	lr =	simm.s32 $0x1  }
0x2: {  	[smem:$0x3F99] =	sst lr;
	_ =	strace $0xD0000000  }
0x3: {  	_ = 	snop  }
0x4: {  	_ = 	snop  }
0x5: {  	_ = 	snop  }
0x6: {  	_ = 	snop  }
0x7: {  	_ = 	snop  }
__scs_overlays_trampoline_lowered:
0x8: {  	[smem:$0x3FA8] =	sst s0  }
0x9: {  	[smem:$0x3FA9] =	sst s1  }
0xa: {  	[smem:$0x3FAA] =	sst s2  }
0xb: {  	[smem:$0x3FAB] =	sst s3  }
0xc: {  	[smem:$0x3FAC] =	sst s4  }
0xd: {  	[smem:$0x3FAD] =	sst s5  }
0xe: {  	[smem:$0x3FAE] =	sst s6  }
0xf: {  	[smem:$0x3FAF] =	sst s7  }
0x10: {  	[smem:$0x3FB0] =	sst s8  }
0x11: {  	[smem:$0x3FB1] =	sst s9;
	s0 =	simm.s32 @!p0 $0x0  }
0x12: {  	s1 =	sld [smem:$0x3F97];
	s0 =	simm.s32 @p0 $0x1  }
0x13: {  	[smem:$0x3FB2] =	sst s0;
	s0 =	simm.s32 @!p1 $0x0  }
0x14: {  	s2 =	sld [smem:$0x3F96];
	s0 =	simm.s32 @p1 $0x1  }
0x15: {  	[smem:$0x3FB3] =	sst s0;
	s0 =	simm.s32 @!p2 $0x0  }
0x16: {  	s3 =	sld [smem:$0x3FDB];
	s0 =	simm.s32 @p2 $0x1  }
0x17: {  	s4 =	simm.s32 $0x1BF5;
	[smem:$0x3FB5] =	sst s0  }
0x18: {  	s0 =	sld [smem:$0x3F98];
	_ =	swait.ge [sflag:s4], $0x0  }
0x19: {  	s7 =	sld [smem:$0x3F99]  }
0x1a: {  	s8 =	sadd.s32 $0xFFFFE003, lr  }
0x1b: {  	s9 =	sadd.s32 $0xFFFFFEF7, lr;
	s5 =	simm.s32 $0xFFFFFFFF;
	p2 =	slt.u32 s8, $0xFFFFF086  }
0x1c: {  	p1 =	slt.u32 s9, $0xF7A;
	s5 =	simm.s32 @!p2 $0x0  }
0x1d: {  	s5 =	simm.s32 @p1 $0x1;
	p0 =	seq.s32 s7, s2  }
0x1e: {  	s7 =	smul.u32 @!p0 $0xF7A, s2;
	p2 =	seq.s32 @!p0 s5, $0x0  }
0x1f: {  	s9 =	smul.u32 $0xF7A, s1;
	s8 =	simm.s32 @!p0 $0x1BF5;
	p2 =	por !p2, p0  }
0x20: {  	[sflag:s8] =	ssyncset.s32 @!p0 $0xFFFFF086;
	s6 =	sadd.s32 @!p0 s3, s7;
	s7 =	simm.s32 @!p0 $0x108  }
0x21: {  	s3 =	sadd.s32 s3, s9;
	s6 =	sadd.s32 @!p0 $0x88, s6;
	s7 =	simm.s32 @p2 $0x1082  }
0x22: {  	[simem:s7], [sflag:s8] =	dma.local @!p0 [hbm:s6], $0xF7A  }
0x23: {  	s9 =	sor.u32 $0xD0000000, s2;
	s6 =	simm.s32 $0x108;
	_ =	swait.ge @!p0 [sflag:s8], $0x0  }
0x24: {  	s3 =	sadd.s32 $0x88, s3;
	s6 =	simm.s32 @!p1 $0x1082;
	[sflag:s4] =	ssyncset.s32 $0xFFFFF086  }
0x25: {  	[simem:s6], [sflag:s4] =	dma.local [hbm:s3], $0xF7A  }
0x26: {  	[smem:$0x3F99] =	sst s1;
	(tag) =	ssettag s2;
	_ =	strace s9  }
0x27: {  	s1 =	sld [smem:$0x3FA9]  }
0x28: {  	s2 =	sld [smem:$0x3FAA]  }
0x29: {  	s4 =	sld [smem:$0x3FAC]  }
0x2a: {  	p0 =	seq.s32 s5, $0x0;
	s5 =	sld [smem:$0x3FAD]  }
0x2b: {  	s6 =	sld [smem:$0x3FAE]  }
0x2c: {  	s7 =	sld [smem:$0x3FAF]  }
0x2d: {  	s3 =	simm.s32 $0x108;
	s8 =	sld [smem:$0x3FB0]  }
0x2e: {  	s3 =	simm.s32 @!p0 $0x1082;
	s9 =	sld [smem:$0x3FB1]  }
0x2f: {  	lr =	sadd.s32 s0, s3;
	s0 =	sld [smem:$0x3FA8]  }
0x30: {  	s3 =	sld [smem:$0x3FAB]  }
0x31: {  	[smem:$0x3FB4] =	sst s10  }
0x32: {  	s10 =	sld [smem:$0x3FB2];
	_ =	sdelay $0x3  }
0x33: {  	p0 =	seq.s32 s10, $0x1;
	s10 =	sld [smem:$0x3FB4];
	_ =	sdelay $0x3  }
0x34: {  	[smem:$0x3FB4] =	sst s10  }
0x35: {  	s10 =	sld [smem:$0x3FB3];
	_ =	sdelay $0x3  }
0x36: {  	p1 =	seq.s32 s10, $0x1;
	s10 =	sld [smem:$0x3FB4];
	_ =	sdelay $0x3  }
0x37: {  	[smem:$0x3FB4] =	sst s10  }
0x38: {  	s10 =	sld [smem:$0x3FB5]  }
0x39: {  	_ = 	snop;
	(pc) =	sbr.ind lr, $3  }
0x3a: {  	_ = 	snop  }
0x3b: {  	_ = 	snop  }
0x3c: {  	p2 =	seq.s32 s10, $0x1;
	s10 =	sld [smem:$0x3FB4]  }
0x3d: {  	_ =	shalt  }
0x3e: {  	_ =	shalt  }
0x3f: {  	_ =	shalt  }
0x40: {  	_ =	shalt  }
0x41: {  	_ =	shalt  }
0x42: {  	_ =	shalt  }
0x43: {  	_ =	shalt  }
0x44: {  	_ =	shalt  }
0x45: {  	_ =	shalt  }
0x46: {  	_ =	shalt  }
0x47: {  	_ =	shalt  }
0x48: {  	_ =	shalt  }
0x49: {  	_ =	shalt  }
0x4a: {  	_ =	shalt  }
0x4b: {  	_ =	shalt  }
0x4c: {  	_ =	shalt  }
0x4d: {  	_ =	shalt  }
0x4e: {  	_ =	shalt  }
0x4f: {  	_ =	shalt  }
0x50: {  	_ =	shalt  }
0x51: {  	_ =	shalt  }
0x52: {  	_ =	shalt  }
0x53: {  	_ =	shalt  }
0x54: {  	_ =	shalt  }
0x55: {  	_ =	shalt  }
0x56: {  	_ =	shalt  }
0x57: {  	_ =	shalt  }
0x58: {  	_ =	shalt  }
0x59: {  	_ =	shalt  }
0x5a: {  	_ =	shalt  }
0x5b: {  	_ =	shalt  }
0x5c: {  	_ =	shalt  }
0x5d: {  	_ =	shalt  }
0x5e: {  	_ =	shalt  }
0x5f: {  	_ =	shalt  }
0x60: {  	_ =	shalt  }
0x61: {  	_ =	shalt  }
0x62: {  	_ =	shalt  }
0x63: {  	_ =	shalt  }
0x64: {  	_ =	shalt  }
0x65: {  	_ =	shalt  }
0x66: {  	_ =	shalt  }
0x67: {  	_ =	shalt  }
0x68: {  	_ =	shalt  }
0x69: {  	_ =	shalt  }
0x6a: {  	_ =	shalt  }
0x6b: {  	_ =	shalt  }
0x6c: {  	_ =	shalt  }
0x6d: {  	_ =	shalt  }
0x6e: {  	_ =	shalt  }
0x6f: {  	_ =	shalt  }
0x70: {  	_ =	shalt  }
0x71: {  	_ =	shalt  }
0x72: {  	_ =	shalt  }
0x73: {  	_ =	shalt  }
0x74: {  	_ =	shalt  }
0x75: {  	_ =	shalt  }
0x76: {  	_ =	shalt  }
0x77: {  	_ =	shalt  }
0x78: {  	_ =	shalt  }
0x79: {  	_ =	shalt  }
0x7a: {  	_ =	shalt  }
0x7b: {  	_ =	shalt  }
0x7c: {  	_ =	shalt  }
0x7d: {  	_ =	shalt  }
0x7e: {  	_ =	shalt  }
0x7f: {  	_ =	shalt  }
0x80: {  	_ =	shalt  }
0x81: {  	_ =	shalt  }
0x82: {  	_ =	shalt  }
0x83: {  	_ =	shalt  }
0x84: {  	_ =	shalt  }
0x85: {  	_ =	shalt  }
0x86: {  	_ =	shalt  }
0x87: {  	_ =	shalt  }
.Lfunc_end0:
.L_simem_size_0:
called_computation_lowered:
.L_overlay_start_0:
0x88: {  	s2 =	sld [smem:$0x3FD9]  }
0x89: {  	s3 =	sld [smem:$0x3FFE];
	_ =	sdelay $0x1  }
0x8a: {  	s1 =	srdreg.scid  }
0x8b: {  	s0 =	sand.u32 $0x1, s1  }
0x8c: {  	s17 =	sshll.u32 s0, $0xA;
	s2 =	sadd.s32 s3, s2  }
0x8d: {  	s2 =	sadd.s32 s2, s17  }
0x8e: {  	[smem:$0x3FC0] =	sst s2  }
0x8f: {  	_ = 	snop  }
0x90: {  	s2 =	sld [smem:$0x3FD0];
	(tm) =	ssettm $0x1  }
0x91: {  	s18 =	sld [smem:$0x3FFB];
	_ =	sdelay $0x3  }
0x92: {  	_ =	strace s18  }
0x93: {  	s3 =	sld [smem:$0x3FFC];
	_ =	sdelay $0x3  }
0x94: {  	_ =	strace s3  }
0x95: {  	s3 =	sld [smem:$0x3FFD];
	_ =	sdelay $0x3  }
0x96: {  	_ =	strace s3  }
0x97: {  	_ =	strace $0x8FFFFFFF  }
0x98: {  	s19 =	sld [smem:$0x3FDB];
	_ =	sdelay $0x1  }
0x99: {  	s4 =	simm.s32 $_scs_section_size  }
0x9a: {  	s5 =	simm.s32 $_size__tile_overlayer_lowered;
	s6 =	simm.s32 $_tile_overlayer_lowered  }
0x9b: {  	s22 =	simm.s32 $0x1BFF;
	s21 =	sshll.u32 s6, $0x1;
	s3 =	sadd.s32 s4, s19  }
0x9c: {  	s7 =	simm.s32 $0x0;
	s20 =	sshll.u32 s5, $0x1;
	s5 =	sadd.s32 s21, s3  }
0x9d: {  	[timem:s7], [sflag:s22] =	dma.local [hbm:s5], s20  }
0x9e: {  	_ =	swait.ge [sflag:s22], s20  }
0x9f: {  	s4 =	ssub.s32 $0x0, s20;
	[sflag:s22] =	ssyncset.done $0x0  }
0xa0: {  	[sflag:s22] =	ssyncadd.s32 s4;
	_ =	sdelay $0x1  }
0xa1: {  	s23 =	simm.s32 $0x1B8B  }
0xa2: {  	_ =	swait.ge [sflag:s23], $0x1  }
0xa3: {  	[sflag:s23] =	ssyncset.done $0x0  }
0xa4: {  	s25 =	simm.s32 $0x1B8E;
	s24 =	sld [smem:$0x3FFE];
	[sflag:s23] =	ssyncadd.s32 $0xFFFFFFFF  }
0xa5: {  	s26 =	simm.s32 $execute0_lowered;
	[smem:$0x3FD2] =	sst s25  }
0xa6: {  	s5 =	sshll.u32 s26, $0x1;
	_ =	strace $0x80000046;
	[dreg:$0x1] =	wrdreg $0xFFFFFFFF  }
0xa7: {  	s28 =	simm.s32 $_size_execute0_lowered;
	s3 =	sadd.s32 s3, s5;
	[dreg:$0x0] =	wrdreg $0x0  }
0xa8: {  	s5 =	sshll.u32 s28, $0x1;
	[dreg:$0x2] =	wrdreg s3  }
0xa9: {  	[dreg:$0x3] =	wrdreg s5  }
0xaa: {  	[dreg:$0x4] =	wrdreg $0xC0  }
0xab: {  	_ =	task [dreg:s7], $0x5FFFF  }
0xac: {  	[dreg:$0x1] =	wrdreg $0xFFFFFFFF  }
0xad: {  	[dreg:$0x0] =	wrdreg $0x60  }
0xae: {  	[dreg:$0x2] =	wrdreg s24  }
0xaf: {  	[dreg:$0x3] =	wrdreg s2  }
0xb0: {  	[dreg:$0x4] =	wrdreg $0x9  }
0xb1: {  	_ =	task.clear_ibuf [dreg:s7], $0x5FFFF;
	_ =	strace $0x90000046  }
0xb2: {  	s29 =	simm.s32 $0x9;
	_ =	strace $0x80000048  }
0xb3: {  	_ =	swait.ge [sflag:s29], $0x1  }
0xb4: {  	[sflag:s29] =	ssyncadd.s32 $0xFFFFFFFF  }
0xb5: {  	_ =	strace $0x90000048  }
0xb6: {  	_ =	sfence  }
0xb7: {  	s30 =	sld [smem:$0x0];
	_ =	sdelay $0x2  }
0xb8: {  	s31 =	sshll.u32 s1, $0xD;
	s1 =	sshrl.u32 s1, $0x2  }
0xb9: {  	s3 =	sand.u32 $0x4000, s31;
	s1 =	sadd.s32 s1, s30  }
0xba: {  	s0 =	sor.u32 s3, s0;
	s1 =	sshll.u32 s1, $0x11  }
0xbb: {  	s0 =	sor.u32 s1, s0  }
0xbc: {  	s0 =	sadd.s32 $0x8F2B, s0  }
0xbd: {  	[sflag:s0] =	ssyncadd.remote.s32 $0x1  }
0xbe: {  	_ =	sfence.sel $0xFFFF  }
0xbf: {  	[dreg:$0x0] =	wrdreg $0xFFFFFFFF;
	(pc) =	sbr.abs _section_cstart, $3  }
0xc0: {  	[dreg:$0x1] =	wrdreg $0xFFFFFFFF  }
0xc1: {  	_ =	task.clear_ibuf [dreg:s7], $0x2FFFF;
	_ =	strace $0x9FFFFFFF  }
0xc2: {  	(tm) =	ssettm $0x7FFFFFFF  }
0xc3: {  	_ =	shalt  }
tec
execute0_lowered:
.L_overlay_start_1:
0x0: {  	(tag) =	ssettag $0x1  }
0x1: {  	s4 =	rddreg [dreg:$0x0]  }
0x2: {  	s5 =	rddreg [dreg:$0x1]  }
0x3: {  	s2 =	srdreg.scid;
	s1 =	stileid.u32  }
0x4: {  	s0 =	rddreg [dreg:$0x2];
	s10 =	simm.s32 $0xC800;
	s11 =	simm.s32 $0x0  }
0x5: {  	s6 =	sand.u32 $0x1, s2;
	s3 =	sshll.u32 s1, $0x1;
	s2 =	simm.s32 $0x0  }
0x6: {  	s30 =	sshrl.u32 s1, $0x2;
	s7 =	sor.u32 s6, s3;
	[smem:$0x7FF] =	sst s2  }
0x7: {  	s8 =	smul.u32 $0xC000, s30;
	s3 =	sadd.s32 $0x1600, s4;
	s6 =	ssub.s32 $0x2, s6  }
0x8: {  	s9 =	sshll.u32 s7, $0x7;
	_ =	strace $0x80000047;
	s7 =	sshll.u32 s7, $0x8  }
0x9: {  	s31 =	sshrl.u32 s6, $0x1;
	s9 =	sand.u32 $0x380, s9;
	s4 =	sadd.s32 s7, s4  }
0xa: {  	s6 =	ssub.s32 s6, s31;
	s7 =	simm.s32 $0x1;
	s8 =	sor.u32 s8, s9  }
0xb: {  	s4 =	sadd.s32 $0x2E00, s4;
	s6 =	smax.u32 s6, $0x1;
	s8 =	sshrl.u32 s8, $0x3  }
0xc: {  	s9 =	simm.s32 $0x400;
	s5 =	sadd.s32 s5, s8;
	s8 =	simm.s32 $0x80  }
.LBB2_1:
0xd: {  	[tilespmem:s2], [sflag:$0x1] =	stream.linear.gather [hbm4b:s3+s2], $0xC000, $0x38;
	[tilespmem:$0xE000] =	vst v63  }
0xe: {  	_ =	swait.ge [sflag:s7], $0xC000  }
0xf: {  	[sflag:s7] =	ssyncset.done $0x0  }
0x10: {  	s12 =	simm.s32 $0xC000;
	[sflag:s7] =	ssyncadd.s32 $0xFFFF4000  }
0x11: {  	[tilespmem:s12], [sflag:$0x1] =	stream.linear.gather [hbm4b:s4+s2], $0x800, $0x38;
	[tilespmem:$0xE000] =	vst v63  }
0x12: {  	_ =	swait.ge [sflag:s7], $0x800  }
0x13: {  	[sflag:s7] =	ssyncset.done $0x0  }
0x14: {  	[sflag:s7] =	ssyncadd.s32 $0xFFFFF800  }
0x15: {  	v0 =	vld [tilespmem:s12+$0x0];
	_ =	sdelay $0x4  }
0x16: {  	v0 =	vmul.u32 $0x3, v0;
	_ =	sdelay $0x5  }
0x17: {  	v1 =	vld.idx.msk [tilespmem:v0+s2+$0x0], $0xffff  }
0x18: {  	v2 =	vadd.s32 $0x1, v0;
	_ =	sdelay $0x3  }
0x19: {  	[tilespmem:s10+$0x0] =	vst v1  }
0x1a: {  	v1 =	vld.idx.msk [tilespmem:v2+s2+$0x0], $0xffff  }
0x1b: {  	v0 =	vadd.s32 $0x2, v0;
	_ =	sdelay $0x2  }
0x1c: {  	s15 =	sand.u32 $0x7F0, s2  }
0x1d: {  	[tilespmem:s15+$0xD000] =	vst v1  }
0x1e: {  	s13 =	simm.s32 $0x10;
	s14 =	simm.s32 $0xC800;
	v0 =	vld.idx.msk [tilespmem:v0+s2+$0x0], $0xffff  }
.LBB2_2:
0x1f: {  	_ =	sdelay $0x3  }
0x20: {  	p0 =	sne.s32 s13, $0x7F0;
	s12 =	sadd.s32 $0x10, s12;
	s14 =	sadd.s32 $0x10, s14;
	[tilespmem:s15+$0xD800] =	vst v0  }
0x21: {  	s15 =	smov.u32 s13;
	s13 =	sadd.s32 $0x10, s13;
	v0 =	vld [tilespmem:s12+$0x0];
	_ =	sdelay $0x4  }
0x22: {  	v0 =	vmul.u32 $0x3, v0;
	_ =	sdelay $0x5  }
0x23: {  	v1 =	vld.idx.msk [tilespmem:v0+s2+$0x0], $0xffff;
	_ =	sdelay $0x1  }
0x24: {  	v2 =	vadd.s32 $0x1, v0;
	_ =	sdelay $0x3  }
0x25: {  	[tilespmem:s14+$0x0] =	vst v1  }
0x26: {  	v1 =	vld.idx.msk [tilespmem:v2+s2+$0x0], $0xffff;
	_ =	sdelay $0x1  }
0x27: {  	v0 =	vadd.s32 $0x2, v0  }
.Ltmp0:
0x28: {  	(pc) =	sbr.rel @p0 .LBB2_2-.Ltmp0, $4  }
0x29: {  	_ = 	snop  }
0x2a: {  	s15 =	sand.u32 $0x7F0, s15  }
0x2b: {  	[tilespmem:s15+$0xD000] =	vst v1  }
0x2c: {  	v0 =	vld.idx.msk [tilespmem:v0+s2+$0x0], $0xffff  }
0x2d: {  	_ =	sdelay $0x1  }
0x2e: {  	s11 =	sadd.s32 $0x1, s11  }
0x2f: {  	p0 =	sne.s32 s11, s6  }
.Ltmp1:
0x30: {  	[tilespmem:s15+$0xD800] =	vst v0;
	(pc) =	sbr.rel @p0 .LBB2_1-.Ltmp1, $4  }
0x31: {  	[hbm4b:s5+s8] =	stream.strided.scatter [tilespmem:s10], [sflag:$0x1], $0x1800, s9, s8, $0x38;
	[tilespmem:$0xE000] =	vst v63  }
0x32: {  	_ =	swait.ge [sflag:s7], $0x1800  }
0x33: {  	[sflag:s7] =	ssyncset.done $0x0  }
0x34: {  	[sflag:s7] =	ssyncadd.s32 $0xFFFFE800  }
0x35: {  	_ =	sfence.sel $0x180000  }
0x36: {  	[bflag:$0x0] =	sbarrier.arrive $0xFFFF  }
0x37: {  	p0 =	sne.s32 s1, $0x0;
	_ =	strace $0x90000047  }
0x38: {  	s0 =	sadd.s32 @!p0 $0x100000, s0;
	[bflag:$0x2] =	sbarrier.arrive $0xFFFF  }
0x39: {  	[sflag:s0] =	ssyncadd.tile.s32 @!p0 $0x1;
	_ =	shalt  }
.Lfunc_end2:
_tile_overlayer_lowered:
.L_overlay_start_2:
0x3a: {  	(tag) =	ssettag $0x2  }
0x3b: {  	s0 =	rddreg [dreg:$0x0];
	s2 =	stileid.u32  }
0x3c: {  	s1 =	rddreg [dreg:$0x1];
	p0 =	sne.s32 s2, $0x0  }
0x3d: {  	s3 =	rddreg [dreg:$0x2];
	[bflag:$0x3] =	sbarrier.arrive $0xFFFF;
	s2 =	simm.s32 @!p0 $0x1C01  }
0x3e: {  	[timem:s3], [sflag:s2] =	dma.local @!p0 [hbm:s0], s1  }
0x3f: {  	s0 =	simm.s32 @!p0 $0x1  }
0x40: {  	_ =	swait.ge @!p0 [sflag:s0], s1  }
0x41: {  	s1 =	ssub.s32 @!p0 $0x0, s1;
	[sflag:s0] =	ssyncset.done @!p0 $0x0  }
0x42: {  	[sflag:s0] =	ssyncadd.s32 @!p0 s1  }
0x43: {  	[bflag:$0x3] =	sbarrier.arrive $0xFFFF  }
0x44: {  	_ =	shalt  }

</sc_bundles>
